<compile_context>
chip_gen: v7x
topology: tpu7x:2x2x1
jax: 0.10.2.dev20260603
libtpu: 0.0.44.dev20260713+nightly
codegen_flags: <defaults>
</compile_context>

<pallas_src>
import functools

import jax
import jax.numpy as jnp
from jax import lax
from jax.experimental import pallas as pl
from jax.experimental.pallas import tpu as pltpu
from jax.experimental.pallas import tpu_sc as plsc

_N_E = 8192
_E_DIM = 32
_BETA = 0.25

_TOK_BLOCK = 2048
_K_CHUNK = 2048
_N_KC = _N_E // _K_CHUNK
_N_TB = 8192 // _TOK_BLOCK


def _argmin_body(z_ref, zsq_ref, embt_ref, esq_ref, idx_ref, dmin_ref):
    zb = z_ref[...].astype(jnp.bfloat16).astype(jnp.float32)
    zsq = zsq_ref[...]

    def chunk_min(k):
        embt2 = embt_ref[:, pl.ds(k * _K_CHUNK, _K_CHUNK)]
        esq = esq_ref[0, pl.ds(k * _K_CHUNK, _K_CHUNK)]
        mm2 = lax.dot_general(zb, embt2, (((1,), (0,)), ((), ())),
                              preferred_element_type=jnp.float32)
        lane = lax.broadcasted_iota(jnp.int32, (_TOK_BLOCK, 128), 1)

        def d_tile(t):
            return (zsq + esq[None, t * 128:(t + 1) * 128]) \
                - mm2[:, t * 128:(t + 1) * 128]

        run_val = d_tile(0)
        run_idx = lane
        for t in range(1, _K_CHUNK // 128):
            dv = d_tile(t)
            upd = dv < run_val
            run_val = jnp.where(upd, dv, run_val)
            run_idx = jnp.where(upd, lane + t * 128, run_idx)
        cmin = jnp.min(run_val, axis=1)
        cidx = jnp.min(jnp.where(run_val == cmin[:, None], run_idx, _N_E),
                       axis=1)
        return cmin, cidx + k * _K_CHUNK

    c0_min, c0_idx = chunk_min(0)
    bv16 = c0_min.astype(jnp.bfloat16).astype(jnp.float32)
    best_idx, best_w = c0_idx, c0_min
    for k in range(1, _N_KC):
        cmin, cidx = chunk_min(k)
        upd = cmin < bv16
        bv16 = jnp.where(upd, cmin.astype(jnp.bfloat16).astype(jnp.float32),
                         bv16)
        best_idx = jnp.where(upd, cidx, best_idx)
        best_w = jnp.where(upd, cmin, best_w)
    idx_ref[...] = best_idx.reshape(1, 1, _TOK_BLOCK)
    dmin_ref[...] = best_w.reshape(1, 1, _TOK_BLOCK)


def _distance_argmin(z_flat, zsq, embt, esq):
    return pl.pallas_call(
        _argmin_body,
        grid=(_N_TB,),
        in_specs=[
            pl.BlockSpec((_TOK_BLOCK, _E_DIM), lambda i: (i, 0)),
            pl.BlockSpec((_TOK_BLOCK, 1), lambda i: (i, 0)),
            pl.BlockSpec((_E_DIM, _N_E), lambda i: (0, 0)),
            pl.BlockSpec((1, _N_E), lambda i: (0, 0)),
        ],
        out_specs=[
            pl.BlockSpec((1, 1, _TOK_BLOCK), lambda i: (i, 0, 0)),
            pl.BlockSpec((1, 1, _TOK_BLOCK), lambda i: (i, 0, 0)),
        ],
        out_shape=[
            jax.ShapeDtypeStruct((_N_TB, 1, _TOK_BLOCK), jnp.int32),
            jax.ShapeDtypeStruct((_N_TB, 1, _TOK_BLOCK), jnp.float32),
        ],
    )(z_flat, zsq, embt, esq)


try:
    _SC_INFO = plsc.get_sparse_core_info()
    _NC = _SC_INFO.num_cores
    _NS = _SC_INFO.num_subcores
except Exception:
    _NC, _NS = 2, 16
_NW = _NC * _NS
_BPW = 8192 // _NW
_GCH = 128
_NGC = _BPW // _GCH


_ROW_PAD = 128


def _gather_st_body(table_hbm, idx_hbm, z_hbm, out_hbm, idx_v, rows_v, z_v,
                    out_v, sem):
    wid = lax.axis_index("s") * _NC + lax.axis_index("c")
    base = wid * _BPW
    for j in range(_NGC):
        pltpu.sync_copy(idx_hbm.at[pl.ds(base + j * _GCH, _GCH)], idx_v.at[j])
    copies = [pltpu.async_copy(table_hbm.at[idx_v.at[j]],
                               rows_v.at[pl.ds(j * _GCH, _GCH)], sem)
              for j in range(_NGC)]
    pltpu.sync_copy(z_hbm.at[pl.ds(base, _BPW)], z_v)
    for c in copies:
        c.wait()

    def body(r, carry):
        for c in range(_E_DIM // 16):
            zz = z_v[r, pl.ds(c * 16, 16)]
            q = rows_v[r, pl.ds(c * 16, 16)]
            out_v[r, pl.ds(c * 16, 16)] = zz + (q - zz)
        return carry

    lax.fori_loop(0, _BPW, body, 0)
    pltpu.sync_copy(out_v, out_hbm.at[pl.ds(base, _BPW)])


def _gather_straight_through(table_padded, idx_flat, z_flat):
    mesh = plsc.VectorSubcoreMesh(core_axis_name="c", subcore_axis_name="s")
    fn = functools.partial(
        pl.kernel,
        mesh=mesh,
        out_type=jax.ShapeDtypeStruct((8192, _E_DIM), jnp.float32),
        scratch_types=[
            pltpu.VMEM((_NGC, _GCH), jnp.int32),
            pltpu.VMEM((_BPW, _ROW_PAD), jnp.float32),
            pltpu.VMEM((_BPW, _E_DIM), jnp.float32),
            pltpu.VMEM((_BPW, _E_DIM), jnp.float32),
            pltpu.SemaphoreType.DMA,
        ],
    )(_gather_st_body)
    return fn(table_padded, idx_flat, z_flat)


def kernel(z, embedding):
    z_flat = z.reshape(-1, _E_DIM)
    zsq = jnp.sum(z_flat ** 2, axis=1, keepdims=True)
    esq = jnp.sum(embedding ** 2, axis=1)
    embt2 = embedding.T * 2.0

    idx_blocks, dmin_blocks = _distance_argmin(z_flat, zsq, embt2,
                                               esq.reshape(1, _N_E))
    encoding_indices = idx_blocks.reshape(z.shape[:-1])
    idx_flat = idx_blocks.reshape(-1)

    table_padded = jnp.pad(embedding, ((0, 0), (0, _ROW_PAD - _E_DIM)))
    z_q_out = _gather_straight_through(table_padded, idx_flat, z_flat)
    z_q_out = z_q_out.reshape(z.shape)

    m = jnp.sum(dmin_blocks) / (8192.0 * _E_DIM)
    loss = _BETA * m + m
    return (z_q_out, loss, encoding_indices)

# --- scband reference (transcript-rebuilt; emitter-appended) ---
"""Pipeline reference for scband-vector-quantizer-38001870635819 (READ-ONLY COPY).

The authoritative reference and input builder live on the scoring server;
editing this copy changes nothing except your own understanding.
"""

import jax, jax.numpy as jnp
import numpy as np

N_E = 8192
E_DIM = 32
BETA = 0.25


def setup_inputs(seed: int = 0) -> dict:
    key = jax.random.key(seed)
    k1, k2 = jax.random.split(key)
    z = jax.random.normal(k1, (8, 1024, E_DIM), dtype=jnp.float32)
    embedding = jax.random.uniform(
        k2, (N_E, E_DIM), dtype=jnp.float32,
        minval=-1.0 / N_E, maxval=1.0 / N_E)
    return {"z": z, "embedding": embedding}


def reference(z, embedding):
    z_flat = z.reshape(-1, E_DIM)
    d = (jnp.sum(z_flat ** 2, axis=1, keepdims=True)
         + jnp.sum(embedding ** 2, axis=1)
         - 2.0 * jnp.einsum('bd,dn->bn', z_flat, embedding.T))
    encoding_indices = jnp.argmin(d, axis=1).reshape(z.shape[:-1])
    z_q = jnp.take(embedding, encoding_indices, axis=0)
    loss = (BETA * jnp.mean((jax.lax.stop_gradient(z_q) - z) ** 2)
            + jnp.mean((z_q - jax.lax.stop_gradient(z)) ** 2))
    z_q_out = z + jax.lax.stop_gradient(z_q - z)
    return (z_q_out, loss, encoding_indices)

if __name__ == "__main__":
    import jax
    _d = setup_inputs()
    print(jax.jit(kernel)(*tuple(_d.values())))

</pallas_src>

<mosaic_0001>
#map = affine_map<(d0, d1) -> (0, 0)>
#map1 = affine_map<(d0, d1) -> (0)>
module attributes {stable_mosaic.version = 14 : i64} {
  func.func @_gather_st_body(%arg0: i32, %arg1: i32, %arg2: memref<8192x128xf32, #tpu.memory_space<hbm>>, %arg3: memref<8192xi32, #tpu.memory_space<hbm>>, %arg4: memref<8192x32xf32, #tpu.memory_space<hbm>>, %arg5: memref<8192x32xf32, #tpu.memory_space<hbm>>, %arg6: memref<2x128xi32, #tpu.memory_space<vmem>>, %arg7: memref<256x128xf32, #tpu.memory_space<vmem>>, %arg8: memref<256x32xf32, #tpu.memory_space<vmem>>, %arg9: memref<256x32xf32, #tpu.memory_space<vmem>>, %arg10: memref<!tpu.dma_semaphore, #tpu.memory_space<semaphore_mem>>) attributes {dimension_semantics = [#tpu.dimension_semantics<core_parallel>, #tpu.dimension_semantics<subcore_parallel>], iteration_bounds = array<i64: 2, 16>, scalar_prefetch = 0 : i64, scratch_operands = 5 : i64, tpu.core_type = #tpu.core_type<sc_vector_subcore>, window_params = [{transform_indices = #map}, {transform_indices = #map1}, {transform_indices = #map}, {transform_indices = #map}]} {
    %mul3A = arith.constant 2 : i32
    %mul3A_0 = arith.muli %arg1, %mul3A : i32
    %add3A = arith.addi %mul3A_0, %arg0 : i32
    %mul3A_1 = arith.constant 256 : i32
    %mul3A_2 = arith.muli %add3A, %mul3A_1 : i32
    %add3A_3 = arith.constant 0 : i32
    %add3A_4 = arith.addi %mul3A_2, %add3A_3 : i32
    %run_scoped3A = arith.constant 0 : i32
    "tpu.region"() ({
      %run_scoped3A_51 = tpu.sem_alloc : memref<!tpu.dma_semaphore, #tpu.memory_space<semaphore_mem>>
      %dma_start3A_52 = arith.constant 0 : i32
      %dma_start3A_53 = tpu.memref_slice %arg6[%run_scoped3A, %dma_start3A_52] : memref<2x128xi32, #tpu.memory_space<vmem>> -> memref<1x128xi32, #tpu.memory_space<vmem>>
      %dma_start3A_54 = tpu.memref_squeeze %dma_start3A_53 : memref<1x128xi32, #tpu.memory_space<vmem>> -> memref<128xi32, #tpu.memory_space<vmem>>
      %dma_start3A_55 = tpu.memref_slice %arg3[%add3A_4] : memref<8192xi32, #tpu.memory_space<hbm>> -> memref<128xi32, #tpu.memory_space<hbm>>
      %dma_start3A_56 = arith.constant 0 : i32
      %dma_start3A_57 = tpu.memref_slice %arg6[%run_scoped3A, %dma_start3A_56] : memref<2x128xi32, #tpu.memory_space<vmem>> -> memref<1x128xi32, #tpu.memory_space<vmem>>
      %dma_start3A_58 = tpu.memref_squeeze %dma_start3A_57 : memref<1x128xi32, #tpu.memory_space<vmem>> -> memref<128xi32, #tpu.memory_space<vmem>>
      %dma_start3A_59 = tpu.memref_slice %arg3[%add3A_4] : memref<8192xi32, #tpu.memory_space<hbm>> -> memref<128xi32, #tpu.memory_space<hbm>>
      tpu.enqueue_dma source(%dma_start3A_59 : memref<128xi32, #tpu.memory_space<hbm>>) target(%dma_start3A_58 : memref<128xi32, #tpu.memory_space<vmem>>) target_semaphore(%run_scoped3A_51 : memref<!tpu.dma_semaphore, #tpu.memory_space<semaphore_mem>>)
      %dma_wait3A_60 = arith.constant 0 : i32
      %dma_wait3A_61 = tpu.memref_slice %arg6[%run_scoped3A, %dma_wait3A_60] : memref<2x128xi32, #tpu.memory_space<vmem>> -> memref<1x128xi32, #tpu.memory_space<vmem>>
      %dma_wait3A_62 = tpu.memref_squeeze %dma_wait3A_61 : memref<1x128xi32, #tpu.memory_space<vmem>> -> memref<128xi32, #tpu.memory_space<vmem>>
      %dma_wait3A_63 = tpu.memref_slice %arg3[%add3A_4] : memref<8192xi32, #tpu.memory_space<hbm>> -> memref<128xi32, #tpu.memory_space<hbm>>
      %dma_wait3A_64 = arith.constant 0 : i32
      %dma_wait3A_65 = tpu.memref_slice %arg6[%run_scoped3A, %dma_wait3A_64] : memref<2x128xi32, #tpu.memory_space<vmem>> -> memref<1x128xi32, #tpu.memory_space<vmem>>
      %dma_wait3A_66 = tpu.memref_squeeze %dma_wait3A_65 : memref<1x128xi32, #tpu.memory_space<vmem>> -> memref<128xi32, #tpu.memory_space<vmem>>
      %dma_wait3A_67 = tpu.memref_slice %arg3[%add3A_4] : memref<8192xi32, #tpu.memory_space<hbm>> -> memref<128xi32, #tpu.memory_space<hbm>>
      tpu.wait_dma2 semaphore(%run_scoped3A_51 : memref<!tpu.dma_semaphore, #tpu.memory_space<semaphore_mem>>) src(%dma_wait3A_67 : memref<128xi32, #tpu.memory_space<hbm>>) dst(%dma_wait3A_66 : memref<128xi32, #tpu.memory_space<vmem>>)
      tpu.yield
    }) : () -> ()
    %add3A_5 = arith.constant 128 : i32
    %add3A_6 = arith.addi %mul3A_2, %add3A_5 : i32
    %run_scoped3A_7 = arith.constant 1 : i32
    "tpu.region"() ({
      %run_scoped3A_51 = tpu.sem_alloc : memref<!tpu.dma_semaphore, #tpu.memory_space<semaphore_mem>>
      %dma_start3A_52 = arith.constant 0 : i32
      %dma_start3A_53 = tpu.memref_slice %arg6[%run_scoped3A_7, %dma_start3A_52] : memref<2x128xi32, #tpu.memory_space<vmem>> -> memref<1x128xi32, #tpu.memory_space<vmem>>
      %dma_start3A_54 = tpu.memref_squeeze %dma_start3A_53 : memref<1x128xi32, #tpu.memory_space<vmem>> -> memref<128xi32, #tpu.memory_space<vmem>>
      %dma_start3A_55 = tpu.memref_slice %arg3[%add3A_6] : memref<8192xi32, #tpu.memory_space<hbm>> -> memref<128xi32, #tpu.memory_space<hbm>>
      %dma_start3A_56 = arith.constant 0 : i32
      %dma_start3A_57 = tpu.memref_slice %arg6[%run_scoped3A_7, %dma_start3A_56] : memref<2x128xi32, #tpu.memory_space<vmem>> -> memref<1x128xi32, #tpu.memory_space<vmem>>
      %dma_start3A_58 = tpu.memref_squeeze %dma_start3A_57 : memref<1x128xi32, #tpu.memory_space<vmem>> -> memref<128xi32, #tpu.memory_space<vmem>>
      %dma_start3A_59 = tpu.memref_slice %arg3[%add3A_6] : memref<8192xi32, #tpu.memory_space<hbm>> -> memref<128xi32, #tpu.memory_space<hbm>>
      tpu.enqueue_dma source(%dma_start3A_59 : memref<128xi32, #tpu.memory_space<hbm>>) target(%dma_start3A_58 : memref<128xi32, #tpu.memory_space<vmem>>) target_semaphore(%run_scoped3A_51 : memref<!tpu.dma_semaphore, #tpu.memory_space<semaphore_mem>>)
      %dma_wait3A_60 = arith.constant 0 : i32
      %dma_wait3A_61 = tpu.memref_slice %arg6[%run_scoped3A_7, %dma_wait3A_60] : memref<2x128xi32, #tpu.memory_space<vmem>> -> memref<1x128xi32, #tpu.memory_space<vmem>>
      %dma_wait3A_62 = tpu.memref_squeeze %dma_wait3A_61 : memref<1x128xi32, #tpu.memory_space<vmem>> -> memref<128xi32, #tpu.memory_space<vmem>>
      %dma_wait3A_63 = tpu.memref_slice %arg3[%add3A_6] : memref<8192xi32, #tpu.memory_space<hbm>> -> memref<128xi32, #tpu.memory_space<hbm>>
      %dma_wait3A_64 = arith.constant 0 : i32
      %dma_wait3A_65 = tpu.memref_slice %arg6[%run_scoped3A_7, %dma_wait3A_64] : memref<2x128xi32, #tpu.memory_space<vmem>> -> memref<1x128xi32, #tpu.memory_space<vmem>>
      %dma_wait3A_66 = tpu.memref_squeeze %dma_wait3A_65 : memref<1x128xi32, #tpu.memory_space<vmem>> -> memref<128xi32, #tpu.memory_space<vmem>>
      %dma_wait3A_67 = tpu.memref_slice %arg3[%add3A_6] : memref<8192xi32, #tpu.memory_space<hbm>> -> memref<128xi32, #tpu.memory_space<hbm>>
      tpu.wait_dma2 semaphore(%run_scoped3A_51 : memref<!tpu.dma_semaphore, #tpu.memory_space<semaphore_mem>>) src(%dma_wait3A_67 : memref<128xi32, #tpu.memory_space<hbm>>) dst(%dma_wait3A_66 : memref<128xi32, #tpu.memory_space<vmem>>)
      tpu.yield
    }) : () -> ()
    %dma_start3A = arith.constant 0 : i32
    %dma_start3A_8 = arith.constant 0 : i32
    %dma_start3A_9 = arith.constant 0 : i32
    %dma_start3A_10 = tpu.memref_slice %arg7[%dma_start3A_8, %dma_start3A_9] : memref<256x128xf32, #tpu.memory_space<vmem>> -> memref<128x128xf32, #tpu.memory_space<vmem>>
    %dma_start3A_11 = arith.constant 0 : i32
    %dma_start3A_12 = tpu.memref_slice %arg6[%dma_start3A, %dma_start3A_11] : memref<2x128xi32, #tpu.memory_space<vmem>> -> memref<1x128xi32, #tpu.memory_space<vmem>>
    %dma_start3A_13 = tpu.memref_squeeze %dma_start3A_12 : memref<1x128xi32, #tpu.memory_space<vmem>> -> memref<128xi32, #tpu.memory_space<vmem>>
    %dma_start3A_14 = arith.constant 0 : i32
    %dma_start3A_15 = arith.constant 0 : i32
    %dma_start3A_16 = tpu.memref_slice %arg2[%dma_start3A_14, %dma_start3A_15] : memref<8192x128xf32, #tpu.memory_space<hbm>> -> memref<8192x128xf32, #tpu.memory_space<hbm>>
    tpu.enqueue_indirect_dma source(%dma_start3A_16 : memref<8192x128xf32, #tpu.memory_space<hbm>>) target(%dma_start3A_10 : memref<128x128xf32, #tpu.memory_space<vmem>>) offsets(%dma_start3A_13 : memref<128xi32, #tpu.memory_space<vmem>>) semaphore(%arg10 : memref<!tpu.dma_semaphore, #tpu.memory_space<semaphore_mem>>)
    %dma_start3A_17 = arith.constant 1 : i32
    %dma_start3A_18 = arith.constant 128 : i32
    %dma_start3A_19 = arith.constant 0 : i32
    %dma_start3A_20 = tpu.memref_slice %arg7[%dma_start3A_18, %dma_start3A_19] : memref<256x128xf32, #tpu.memory_space<vmem>> -> memref<128x128xf32, #tpu.memory_space<vmem>>
    %dma_start3A_21 = arith.constant 0 : i32
    %dma_start3A_22 = tpu.memref_slice %arg6[%dma_start3A_17, %dma_start3A_21] : memref<2x128xi32, #tpu.memory_space<vmem>> -> memref<1x128xi32, #tpu.memory_space<vmem>>
    %dma_start3A_23 = tpu.memref_squeeze %dma_start3A_22 : memref<1x128xi32, #tpu.memory_space<vmem>> -> memref<128xi32, #tpu.memory_space<vmem>>
    %dma_start3A_24 = arith.constant 0 : i32
    %dma_start3A_25 = arith.constant 0 : i32
    %dma_start3A_26 = tpu.memref_slice %arg2[%dma_start3A_24, %dma_start3A_25] : memref<8192x128xf32, #tpu.memory_space<hbm>> -> memref<8192x128xf32, #tpu.memory_space<hbm>>
    tpu.enqueue_indirect_dma source(%dma_start3A_26 : memref<8192x128xf32, #tpu.memory_space<hbm>>) target(%dma_start3A_20 : memref<128x128xf32, #tpu.memory_space<vmem>>) offsets(%dma_start3A_23 : memref<128xi32, #tpu.memory_space<vmem>>) semaphore(%arg10 : memref<!tpu.dma_semaphore, #tpu.memory_space<semaphore_mem>>)
    "tpu.region"() ({
      %run_scoped3A_51 = tpu.sem_alloc : memref<!tpu.dma_semaphore, #tpu.memory_space<semaphore_mem>>
      %dma_start3A_52 = arith.constant 0 : i32
      %dma_start3A_53 = tpu.memref_slice %arg4[%mul3A_2, %dma_start3A_52] : memref<8192x32xf32, #tpu.memory_space<hbm>> -> memref<256x32xf32, #tpu.memory_space<hbm>>
      %dma_start3A_54 = arith.constant 0 : i32
      %dma_start3A_55 = tpu.memref_slice %arg4[%mul3A_2, %dma_start3A_54] : memref<8192x32xf32, #tpu.memory_space<hbm>> -> memref<256x32xf32, #tpu.memory_space<hbm>>
      tpu.enqueue_dma source(%dma_start3A_55 : memref<256x32xf32, #tpu.memory_space<hbm>>) target(%arg8 : memref<256x32xf32, #tpu.memory_space<vmem>>) target_semaphore(%run_scoped3A_51 : memref<!tpu.dma_semaphore, #tpu.memory_space<semaphore_mem>>)
      %dma_wait3A_56 = arith.constant 0 : i32
      %dma_wait3A_57 = tpu.memref_slice %arg4[%mul3A_2, %dma_wait3A_56] : memref<8192x32xf32, #tpu.memory_space<hbm>> -> memref<256x32xf32, #tpu.memory_space<hbm>>
      %dma_wait3A_58 = arith.constant 0 : i32
      %dma_wait3A_59 = tpu.memref_slice %arg4[%mul3A_2, %dma_wait3A_58] : memref<8192x32xf32, #tpu.memory_space<hbm>> -> memref<256x32xf32, #tpu.memory_space<hbm>>
      tpu.wait_dma2 semaphore(%run_scoped3A_51 : memref<!tpu.dma_semaphore, #tpu.memory_space<semaphore_mem>>) src(%dma_wait3A_59 : memref<256x32xf32, #tpu.memory_space<hbm>>) dst(%arg8 : memref<256x32xf32, #tpu.memory_space<vmem>>)
      tpu.yield
    }) : () -> ()
    %dma_wait3A = arith.constant 0 : i32
    %dma_wait3A_27 = arith.constant 0 : i32
    %dma_wait3A_28 = arith.constant 0 : i32
    %dma_wait3A_29 = tpu.memref_slice %arg7[%dma_wait3A_27, %dma_wait3A_28] : memref<256x128xf32, #tpu.memory_space<vmem>> -> memref<128x128xf32, #tpu.memory_space<vmem>>
    %dma_wait3A_30 = arith.constant 0 : i32
    %dma_wait3A_31 = tpu.memref_slice %arg6[%dma_wait3A, %dma_wait3A_30] : memref<2x128xi32, #tpu.memory_space<vmem>> -> memref<1x128xi32, #tpu.memory_space<vmem>>
    %dma_wait3A_32 = tpu.memref_squeeze %dma_wait3A_31 : memref<1x128xi32, #tpu.memory_space<vmem>> -> memref<128xi32, #tpu.memory_space<vmem>>
    %dma_wait3A_33 = arith.constant 0 : i32
    %dma_wait3A_34 = arith.constant 0 : i32
    %dma_wait3A_35 = tpu.memref_slice %arg2[%dma_wait3A_33, %dma_wait3A_34] : memref<8192x128xf32, #tpu.memory_space<hbm>> -> memref<8192x128xf32, #tpu.memory_space<hbm>>
    tpu.wait_indirect_dma semaphore(%arg10 : memref<!tpu.dma_semaphore, #tpu.memory_space<semaphore_mem>>) src(%dma_wait3A_35 : memref<8192x128xf32, #tpu.memory_space<hbm>>) dst(%dma_wait3A_29 : memref<128x128xf32, #tpu.memory_space<vmem>>)
    %dma_wait3A_36 = arith.constant 1 : i32
    %dma_wait3A_37 = arith.constant 128 : i32
    %dma_wait3A_38 = arith.constant 0 : i32
    %dma_wait3A_39 = tpu.memref_slice %arg7[%dma_wait3A_37, %dma_wait3A_38] : memref<256x128xf32, #tpu.memory_space<vmem>> -> memref<128x128xf32, #tpu.memory_space<vmem>>
    %dma_wait3A_40 = arith.constant 0 : i32
    %dma_wait3A_41 = tpu.memref_slice %arg6[%dma_wait3A_36, %dma_wait3A_40] : memref<2x128xi32, #tpu.memory_space<vmem>> -> memref<1x128xi32, #tpu.memory_space<vmem>>
    %dma_wait3A_42 = tpu.memref_squeeze %dma_wait3A_41 : memref<1x128xi32, #tpu.memory_space<vmem>> -> memref<128xi32, #tpu.memory_space<vmem>>
    %dma_wait3A_43 = arith.constant 0 : i32
    %dma_wait3A_44 = arith.constant 0 : i32
    %dma_wait3A_45 = tpu.memref_slice %arg2[%dma_wait3A_43, %dma_wait3A_44] : memref<8192x128xf32, #tpu.memory_space<hbm>> -> memref<8192x128xf32, #tpu.memory_space<hbm>>
    tpu.wait_indirect_dma semaphore(%arg10 : memref<!tpu.dma_semaphore, #tpu.memory_space<semaphore_mem>>) src(%dma_wait3A_45 : memref<8192x128xf32, #tpu.memory_space<hbm>>) dst(%dma_wait3A_39 : memref<128x128xf32, #tpu.memory_space<vmem>>)
    %scan3A = arith.constant 0 : i32
    %scan3A_46 = arith.constant 0 : i32
    %scan3A_47 = arith.constant 256 : i32
    %scan3A_48 = arith.addi %scan3A_46, %scan3A_47 : i32
    %scan3A_49 = arith.constant 1 : i32
    scf.for %scan3A_51 = %scan3A_46 to %scan3A_48 step %scan3A_49  : i32 {
      %get3A = arith.index_cast %scan3A_51 : i32 to index
      %get3A_52 = arith.constant 0 : index
      %get3A_53 = tpu.vector_load %arg8[%get3A, %get3A_52] {strides = array<i32>} : memref<256x32xf32, #tpu.memory_space<vmem>>, vector<1x16xf32>,
      %get3A_54 = vector.shape_cast %get3A_53 : vector<1x16xf32> to vector<16xf32>
      %get3A_55 = arith.index_cast %scan3A_51 : i32 to index
      %get3A_56 = arith.constant 0 : index
      %get3A_57 = tpu.vector_load %arg7[%get3A_55, %get3A_56] {strides = array<i32>} : memref<256x128xf32, #tpu.memory_space<vmem>>, vector<1x16xf32>,
      %get3A_58 = vector.shape_cast %get3A_57 : vector<1x16xf32> to vector<16xf32>
      %sub3A = arith.subf %get3A_58, %get3A_54 : vector<16xf32>
      %add3A_59 = arith.addf %get3A_54, %sub3A : vector<16xf32>
      %swap3A = arith.index_cast %scan3A_51 : i32 to index
      %swap3A_60 = arith.constant 0 : index
      %swap3A_61 = tpu.vector_load %arg9[%swap3A, %swap3A_60] {strides = array<i32>} : memref<256x32xf32, #tpu.memory_space<vmem>>, vector<1x16xf32>,
      %swap3A_62 = vector.shape_cast %swap3A_61 : vector<1x16xf32> to vector<16xf32>
      %swap3A_63 = vector.shape_cast %add3A_59 : vector<16xf32> to vector<1x16xf32>
      tpu.vector_store %arg9[%swap3A, %swap3A_60], %swap3A_63 {strides = array<i32>} : memref<256x32xf32, #tpu.memory_space<vmem>>, vector<1x16xf32>,
      %get3A_64 = arith.index_cast %scan3A_51 : i32 to index
      %get3A_65 = arith.constant 16 : index
      %get3A_66 = tpu.vector_load %arg8[%get3A_64, %get3A_65] {strides = array<i32>} : memref<256x32xf32, #tpu.memory_space<vmem>>, vector<1x16xf32>,
      %get3A_67 = vector.shape_cast %get3A_66 : vector<1x16xf32> to vector<16xf32>
      %get3A_68 = arith.index_cast %scan3A_51 : i32 to index
      %get3A_69 = arith.constant 16 : index
      %get3A_70 = tpu.vector_load %arg7[%get3A_68, %get3A_69] {strides = array<i32>} : memref<256x128xf32, #tpu.memory_space<vmem>>, vector<1x16xf32>,
      %get3A_71 = vector.shape_cast %get3A_70 : vector<1x16xf32> to vector<16xf32>
      %sub3A_72 = arith.subf %get3A_71, %get3A_67 : vector<16xf32>
      %add3A_73 = arith.addf %get3A_67, %sub3A_72 : vector<16xf32>
      %swap3A_74 = arith.index_cast %scan3A_51 : i32 to index
      %swap3A_75 = arith.constant 16 : index
      %swap3A_76 = tpu.vector_load %arg9[%swap3A_74, %swap3A_75] {strides = array<i32>} : memref<256x32xf32, #tpu.memory_space<vmem>>, vector<1x16xf32>,
      %swap3A_77 = vector.shape_cast %swap3A_76 : vector<1x16xf32> to vector<16xf32>
      %swap3A_78 = vector.shape_cast %add3A_73 : vector<16xf32> to vector<1x16xf32>
      tpu.vector_store %arg9[%swap3A_74, %swap3A_75], %swap3A_78 {strides = array<i32>} : memref<256x32xf32, #tpu.memory_space<vmem>>, vector<1x16xf32>,
    }
    %scan3A_50 = arith.constant 256 : i32
    "tpu.region"() ({
      %run_scoped3A_51 = tpu.sem_alloc : memref<!tpu.dma_semaphore, #tpu.memory_space<semaphore_mem>>
      %dma_start3A_52 = arith.constant 0 : i32
      %dma_start3A_53 = tpu.memref_slice %arg5[%mul3A_2, %dma_start3A_52] : memref<8192x32xf32, #tpu.memory_space<hbm>> -> memref<256x32xf32, #tpu.memory_space<hbm>>
      %dma_start3A_54 = arith.constant 0 : i32
      %dma_start3A_55 = tpu.memref_slice %arg5[%mul3A_2, %dma_start3A_54] : memref<8192x32xf32, #tpu.memory_space<hbm>> -> memref<256x32xf32, #tpu.memory_space<hbm>>
      tpu.enqueue_dma source(%arg9 : memref<256x32xf32, #tpu.memory_space<vmem>>) target(%dma_start3A_55 : memref<256x32xf32, #tpu.memory_space<hbm>>) target_semaphore(%run_scoped3A_51 : memref<!tpu.dma_semaphore, #tpu.memory_space<semaphore_mem>>)
      %dma_wait3A_56 = arith.constant 0 : i32
      %dma_wait3A_57 = tpu.memref_slice %arg5[%mul3A_2, %dma_wait3A_56] : memref<8192x32xf32, #tpu.memory_space<hbm>> -> memref<256x32xf32, #tpu.memory_space<hbm>>
      %dma_wait3A_58 = arith.constant 0 : i32
      %dma_wait3A_59 = tpu.memref_slice %arg5[%mul3A_2, %dma_wait3A_58] : memref<8192x32xf32, #tpu.memory_space<hbm>> -> memref<256x32xf32, #tpu.memory_space<hbm>>
      tpu.wait_dma2 semaphore(%run_scoped3A_51 : memref<!tpu.dma_semaphore, #tpu.memory_space<semaphore_mem>>) src(%arg9 : memref<256x32xf32, #tpu.memory_space<vmem>>) dst(%dma_wait3A_59 : memref<256x32xf32, #tpu.memory_space<hbm>>)
      tpu.yield
    }) : () -> ()
    return
  }
}

module attributes {stable_mosaic.version = 14 : i64} {
  func.func @_argmin_body(%arg0: i32, %arg1: memref<2048x32xf32, #tpu.memory_space<vmem>>, %arg2: memref<2048x1xf32, #tpu.memory_space<vmem>>, %arg3: memref<32x8192xf32, #tpu.memory_space<vmem>>, %arg4: memref<1x8192xf32, #tpu.memory_space<vmem>>, %arg5: memref<1x1x2048xi32, #tpu.memory_space<vmem>>, %arg6: memref<1x1x2048xf32, #tpu.memory_space<vmem>>) attributes {dimension_semantics = [#tpu.dimension_semantics<arbitrary>], iteration_bounds = array<i64: 4>, scalar_prefetch = 0 : i64, scratch_operands = 0 : i64, tpu.core_type = #tpu.core_type<tc>, window_params = [{transform_indices = @transform_0, window_bounds = array<i64: 2048, 32>}, {transform_indices = @transform_1, window_bounds = array<i64: 2048, 1>}, {pipeline_mode = #tpu.pipeline_mode<synchronous>, transform_indices = @transform_2, window_bounds = array<i64: 32, 8192>}, {pipeline_mode = #tpu.pipeline_mode<synchronous>, transform_indices = @transform_3, window_bounds = array<i64: 1, 8192>}, {transform_indices = @transform_4, window_bounds = array<i64: 1, 1, 2048>}, {transform_indices = @transform_5, window_bounds = array<i64: 1, 1, 2048>}]} {
    %get3A = arith.constant 0 : index
    %get3A_0 = arith.constant 0 : index
    %get3A_1 = vector.load %arg1[%get3A, %get3A_0] : memref<2048x32xf32, #tpu.memory_space<vmem>>, vector<2048x32xf32>
    %convert_element_type3A = arith.truncf %get3A_1 : vector<2048x32xf32> to vector<2048x32xbf16>
    %convert_element_type3A_2 = arith.extf %convert_element_type3A : vector<2048x32xbf16> to vector<2048x32xf32>
    %get3A_3 = arith.constant 0 : index
    %get3A_4 = arith.constant 0 : index
    %get3A_5 = vector.load %arg2[%get3A_3, %get3A_4] : memref<2048x1xf32, #tpu.memory_space<vmem>>, vector<2048x1xf32>
    %get3A_6 = arith.constant 0 : index
    %get3A_7 = arith.constant 0 : index
    %get3A_8 = vector.load %arg3[%get3A_6, %get3A_7] : memref<32x8192xf32, #tpu.memory_space<vmem>>, vector<32x2048xf32>
    %get3A_9 = arith.constant 0 : index
    %get3A_10 = arith.constant 0 : index
    %get3A_11 = vector.load %arg4[%get3A_9, %get3A_10] : memref<1x8192xf32, #tpu.memory_space<vmem>>, vector<1x2048xf32>
    %get3A_12 = vector.shape_cast %get3A_11 : vector<1x2048xf32> to vector<2048xf32>
    %dot_general3A = arith.constant dense<0.000000e+00> : vector<2048x2048xf32>
    %dot_general3A_13 = tpu.matmul %convert_element_type3A_2, %get3A_8, %dot_general3A {dimension_numbers = #tpu.dot_dimension_numbers<[1], [0], [0], [1], [0, 0, 1, 1], [], []>, transpose_lhs_hint = false} : vector<2048x32xf32>, vector<32x2048xf32>, vector<2048x2048xf32> -> vector<2048x2048xf32>
    %iota3A = tpu.iota {dimensions = array<i32: 1>} : vector<2048x128xi32>
    %slice3A = vector.extract_strided_slice %get3A_12 {offsets = [0], sizes = [128], strides = [1]} : vector<2048xf32> to vector<128xf32>
    %broadcast_in_dim3A = vector.shape_cast %slice3A : vector<128xf32> to vector<1x128xf32>
    %add3A = vector.broadcast %get3A_5 : vector<2048x1xf32> to vector<2048x128xf32>
    %add3A_14 = vector.broadcast %broadcast_in_dim3A : vector<1x128xf32> to vector<2048x128xf32>
    %add3A_15 = arith.addf %add3A, %add3A_14 : vector<2048x128xf32>
    %slice3A_16 = vector.extract_strided_slice %dot_general3A_13 {offsets = [0, 0], sizes = [2048, 128], strides = [1, 1]} : vector<2048x2048xf32> to vector<2048x128xf32>
    %sub3A = arith.subf %add3A_15, %slice3A_16 : vector<2048x128xf32>
    %slice3A_17 = vector.extract_strided_slice %get3A_12 {offsets = [128], sizes = [128], strides = [1]} : vector<2048xf32> to vector<128xf32>
    %broadcast_in_dim3A_18 = vector.shape_cast %slice3A_17 : vector<128xf32> to vector<1x128xf32>
    %add3A_19 = vector.broadcast %get3A_5 : vector<2048x1xf32> to vector<2048x128xf32>
    %add3A_20 = vector.broadcast %broadcast_in_dim3A_18 : vector<1x128xf32> to vector<2048x128xf32>
    %add3A_21 = arith.addf %add3A_19, %add3A_20 : vector<2048x128xf32>
    %slice3A_22 = vector.extract_strided_slice %dot_general3A_13 {offsets = [0, 128], sizes = [2048, 128], strides = [1, 1]} : vector<2048x2048xf32> to vector<2048x128xf32>
    %sub3A_23 = arith.subf %add3A_21, %slice3A_22 : vector<2048x128xf32>
    %lt3A = arith.cmpf olt, %sub3A_23, %sub3A : vector<2048x128xf32>
    %select_n3A = arith.select %lt3A, %sub3A_23, %sub3A : vector<2048x128xi1>, vector<2048x128xf32>
    %add3A_24 = arith.constant 128 : i32
    %add3A_25 = vector.broadcast %add3A_24 : i32 to vector<2048x128xi32>
    %add3A_26 = arith.addi %iota3A, %add3A_25 : vector<2048x128xi32>
    %select_n3A_27 = arith.select %lt3A, %add3A_26, %iota3A : vector<2048x128xi1>, vector<2048x128xi32>
    %slice3A_28 = vector.extract_strided_slice %get3A_12 {offsets = [256], sizes = [128], strides = [1]} : vector<2048xf32> to vector<128xf32>
    %broadcast_in_dim3A_29 = vector.shape_cast %slice3A_28 : vector<128xf32> to vector<1x128xf32>
    %add3A_30 = vector.broadcast %get3A_5 : vector<2048x1xf32> to vector<2048x128xf32>
    %add3A_31 = vector.broadcast %broadcast_in_dim3A_29 : vector<1x128xf32> to vector<2048x128xf32>
    %add3A_32 = arith.addf %add3A_30, %add3A_31 : vector<2048x128xf32>
    %slice3A_33 = vector.extract_strided_slice %dot_general3A_13 {offsets = [0, 256], sizes = [2048, 128], strides = [1, 1]} : vector<2048x2048xf32> to vector<2048x128xf32>
    %sub3A_34 = arith.subf %add3A_32, %slice3A_33 : vector<2048x128xf32>
    %lt3A_35 = arith.cmpf olt, %sub3A_34, %select_n3A : vector<2048x128xf32>
    %select_n3A_36 = arith.select %lt3A_35, %sub3A_34, %select_n3A : vector<2048x128xi1>, vector<2048x128xf32>
    %add3A_37 = arith.constant 256 : i32
    %add3A_38 = vector.broadcast %add3A_37 : i32 to vector<2048x128xi32>
    %add3A_39 = arith.addi %iota3A, %add3A_38 : vector<2048x128xi32>
    %select_n3A_40 = arith.select %lt3A_35, %add3A_39, %select_n3A_27 : vector<2048x128xi1>, vector<2048x128xi32>
    %slice3A_41 = vector.extract_strided_slice %get3A_12 {offsets = [384], sizes = [128], strides = [1]} : vector<2048xf32> to vector<128xf32>
    %broadcast_in_dim3A_42 = vector.shape_cast %slice3A_41 : vector<128xf32> to vector<1x128xf32>
    %add3A_43 = vector.broadcast %get3A_5 : vector<2048x1xf32> to vector<2048x128xf32>
    %add3A_44 = vector.broadcast %broadcast_in_dim3A_42 : vector<1x128xf32> to vector<2048x128xf32>
    %add3A_45 = arith.addf %add3A_43, %add3A_44 : vector<2048x128xf32>
    %slice3A_46 = vector.extract_strided_slice %dot_general3A_13 {offsets = [0, 384], sizes = [2048, 128], strides = [1, 1]} : vector<2048x2048xf32> to vector<2048x128xf32>
    %sub3A_47 = arith.subf %add3A_45, %slice3A_46 : vector<2048x128xf32>
    %lt3A_48 = arith.cmpf olt, %sub3A_47, %select_n3A_36 : vector<2048x128xf32>
    %select_n3A_49 = arith.select %lt3A_48, %sub3A_47, %select_n3A_36 : vector<2048x128xi1>, vector<2048x128xf32>
    %add3A_50 = arith.constant 384 : i32
    %add3A_51 = vector.broadcast %add3A_50 : i32 to vector<2048x128xi32>
    %add3A_52 = arith.addi %iota3A, %add3A_51 : vector<2048x128xi32>
    %select_n3A_53 = arith.select %lt3A_48, %add3A_52, %select_n3A_40 : vector<2048x128xi1>, vector<2048x128xi32>
    %slice3A_54 = vector.extract_strided_slice %get3A_12 {offsets = [512], sizes = [128], strides = [1]} : vector<2048xf32> to vector<128xf32>
    %broadcast_in_dim3A_55 = vector.shape_cast %slice3A_54 : vector<128xf32> to vector<1x128xf32>
    %add3A_56 = vector.broadcast %get3A_5 : vector<2048x1xf32> to vector<2048x128xf32>
    %add3A_57 = vector.broadcast %broadcast_in_dim3A_55 : vector<1x128xf32> to vector<2048x128xf32>
    %add3A_58 = arith.addf %add3A_56, %add3A_57 : vector<2048x128xf32>
    %slice3A_59 = vector.extract_strided_slice %dot_general3A_13 {offsets = [0, 512], sizes = [2048, 128], strides = [1, 1]} : vector<2048x2048xf32> to vector<2048x128xf32>
    %sub3A_60 = arith.subf %add3A_58, %slice3A_59 : vector<2048x128xf32>
    %lt3A_61 = arith.cmpf olt, %sub3A_60, %select_n3A_49 : vector<2048x128xf32>
    %select_n3A_62 = arith.select %lt3A_61, %sub3A_60, %select_n3A_49 : vector<2048x128xi1>, vector<2048x128xf32>
    %add3A_63 = arith.constant 512 : i32
    %add3A_64 = vector.broadcast %add3A_63 : i32 to vector<2048x128xi32>
    %add3A_65 = arith.addi %iota3A, %add3A_64 : vector<2048x128xi32>
    %select_n3A_66 = arith.select %lt3A_61, %add3A_65, %select_n3A_53 : vector<2048x128xi1>, vector<2048x128xi32>
    %slice3A_67 = vector.extract_strided_slice %get3A_12 {offsets = [640], sizes = [128], strides = [1]} : vector<2048xf32> to vector<128xf32>
    %broadcast_in_dim3A_68 = vector.shape_cast %slice3A_67 : vector<128xf32> to vector<1x128xf32>
    %add3A_69 = vector.broadcast %get3A_5 : vector<2048x1xf32> to vector<2048x128xf32>
    %add3A_70 = vector.broadcast %broadcast_in_dim3A_68 : vector<1x128xf32> to vector<2048x128xf32>
    %add3A_71 = arith.addf %add3A_69, %add3A_70 : vector<2048x128xf32>
    %slice3A_72 = vector.extract_strided_slice %dot_general3A_13 {offsets = [0, 640], sizes = [2048, 128], strides = [1, 1]} : vector<2048x2048xf32> to vector<2048x128xf32>
    %sub3A_73 = arith.subf %add3A_71, %slice3A_72 : vector<2048x128xf32>
    %lt3A_74 = arith.cmpf olt, %sub3A_73, %select_n3A_62 : vector<2048x128xf32>
    %select_n3A_75 = arith.select %lt3A_74, %sub3A_73, %select_n3A_62 : vector<2048x128xi1>, vector<2048x128xf32>
    %add3A_76 = arith.constant 640 : i32
    %add3A_77 = vector.broadcast %add3A_76 : i32 to vector<2048x128xi32>
    %add3A_78 = arith.addi %iota3A, %add3A_77 : vector<2048x128xi32>
    %select_n3A_79 = arith.select %lt3A_74, %add3A_78, %select_n3A_66 : vector<2048x128xi1>, vector<2048x128xi32>
    %slice3A_80 = vector.extract_strided_slice %get3A_12 {offsets = [768], sizes = [128], strides = [1]} : vector<2048xf32> to vector<128xf32>
    %broadcast_in_dim3A_81 = vector.shape_cast %slice3A_80 : vector<128xf32> to vector<1x128xf32>
    %add3A_82 = vector.broadcast %get3A_5 : vector<2048x1xf32> to vector<2048x128xf32>
    %add3A_83 = vector.broadcast %broadcast_in_dim3A_81 : vector<1x128xf32> to vector<2048x128xf32>
    %add3A_84 = arith.addf %add3A_82, %add3A_83 : vector<2048x128xf32>
    %slice3A_85 = vector.extract_strided_slice %dot_general3A_13 {offsets = [0, 768], sizes = [2048, 128], strides = [1, 1]} : vector<2048x2048xf32> to vector<2048x128xf32>
    %sub3A_86 = arith.subf %add3A_84, %slice3A_85 : vector<2048x128xf32>
    %lt3A_87 = arith.cmpf olt, %sub3A_86, %select_n3A_75 : vector<2048x128xf32>
    %select_n3A_88 = arith.select %lt3A_87, %sub3A_86, %select_n3A_75 : vector<2048x128xi1>, vector<2048x128xf32>
    %add3A_89 = arith.constant 768 : i32
    %add3A_90 = vector.broadcast %add3A_89 : i32 to vector<2048x128xi32>
    %add3A_91 = arith.addi %iota3A, %add3A_90 : vector<2048x128xi32>
    %select_n3A_92 = arith.select %lt3A_87, %add3A_91, %select_n3A_79 : vector<2048x128xi1>, vector<2048x128xi32>
    %slice3A_93 = vector.extract_strided_slice %get3A_12 {offsets = [896], sizes = [128], strides = [1]} : vector<2048xf32> to vector<128xf32>
    %broadcast_in_dim3A_94 = vector.shape_cast %slice3A_93 : vector<128xf32> to vector<1x128xf32>
    %add3A_95 = vector.broadcast %get3A_5 : vector<2048x1xf32> to vector<2048x128xf32>
    %add3A_96 = vector.broadcast %broadcast_in_dim3A_94 : vector<1x128xf32> to vector<2048x128xf32>
    %add3A_97 = arith.addf %add3A_95, %add3A_96 : vector<2048x128xf32>
    %slice3A_98 = vector.extract_strided_slice %dot_general3A_13 {offsets = [0, 896], sizes = [2048, 128], strides = [1, 1]} : vector<2048x2048xf32> to vector<2048x128xf32>
    %sub3A_99 = arith.subf %add3A_97, %slice3A_98 : vector<2048x128xf32>
    %lt3A_100 = arith.cmpf olt, %sub3A_99, %select_n3A_88 : vector<2048x128xf32>
    %select_n3A_101 = arith.select %lt3A_100, %sub3A_99, %select_n3A_88 : vector<2048x128xi1>, vector<2048x128xf32>
    %add3A_102 = arith.constant 896 : i32
    %add3A_103 = vector.broadcast %add3A_102 : i32 to vector<2048x128xi32>
    %add3A_104 = arith.addi %iota3A, %add3A_103 : vector<2048x128xi32>
    %select_n3A_105 = arith.select %lt3A_100, %add3A_104, %select_n3A_92 : vector<2048x128xi1>, vector<2048x128xi32>
    %slice3A_106 = vector.extract_strided_slice %get3A_12 {offsets = [1024], sizes = [128], strides = [1]} : vector<2048xf32> to vector<128xf32>
    %broadcast_in_dim3A_107 = vector.shape_cast %slice3A_106 : vector<128xf32> to vector<1x128xf32>
    %add3A_108 = vector.broadcast %get3A_5 : vector<2048x1xf32> to vector<2048x128xf32>
    %add3A_109 = vector.broadcast %broadcast_in_dim3A_107 : vector<1x128xf32> to vector<2048x128xf32>
    %add3A_110 = arith.addf %add3A_108, %add3A_109 : vector<2048x128xf32>
    %slice3A_111 = vector.extract_strided_slice %dot_general3A_13 {offsets = [0, 1024], sizes = [2048, 128], strides = [1, 1]} : vector<2048x2048xf32> to vector<2048x128xf32>
    %sub3A_112 = arith.subf %add3A_110, %slice3A_111 : vector<2048x128xf32>
    %lt3A_113 = arith.cmpf olt, %sub3A_112, %select_n3A_101 : vector<2048x128xf32>
    %select_n3A_114 = arith.select %lt3A_113, %sub3A_112, %select_n3A_101 : vector<2048x128xi1>, vector<2048x128xf32>
    %add3A_115 = arith.constant 1024 : i32
    %add3A_116 = vector.broadcast %add3A_115 : i32 to vector<2048x128xi32>
    %add3A_117 = arith.addi %iota3A, %add3A_116 : vector<2048x128xi32>
    %select_n3A_118 = arith.select %lt3A_113, %add3A_117, %select_n3A_105 : vector<2048x128xi1>, vector<2048x128xi32>
    %slice3A_119 = vector.extract_strided_slice %get3A_12 {offsets = [1152], sizes = [128], strides = [1]} : vector<2048xf32> to vector<128xf32>
    %broadcast_in_dim3A_120 = vector.shape_cast %slice3A_119 : vector<128xf32> to vector<1x128xf32>
    %add3A_121 = vector.broadcast %get3A_5 : vector<2048x1xf32> to vector<2048x128xf32>
    %add3A_122 = vector.broadcast %broadcast_in_dim3A_120 : vector<1x128xf32> to vector<2048x128xf32>
    %add3A_123 = arith.addf %add3A_121, %add3A_122 : vector<2048x128xf32>
    %slice3A_124 = vector.extract_strided_slice %dot_general3A_13 {offsets = [0, 1152], sizes = [2048, 128], strides = [1, 1]} : vector<2048x2048xf32> to vector<2048x128xf32>
    %sub3A_125 = arith.subf %add3A_123, %slice3A_124 : vector<2048x128xf32>
    %lt3A_126 = arith.cmpf olt, %sub3A_125, %select_n3A_114 : vector<2048x128xf32>
    %select_n3A_127 = arith.select %lt3A_126, %sub3A_125, %select_n3A_114 : vector<2048x128xi1>, vector<2048x128xf32>
    %add3A_128 = arith.constant 1152 : i32
    %add3A_129 = vector.broadcast %add3A_128 : i32 to vector<2048x128xi32>
    %add3A_130 = arith.addi %iota3A, %add3A_129 : vector<2048x128xi32>
    %select_n3A_131 = arith.select %lt3A_126, %add3A_130, %select_n3A_118 : vector<2048x128xi1>, vector<2048x128xi32>
    %slice3A_132 = vector.extract_strided_slice %get3A_12 {offsets = [1280], sizes = [128], strides = [1]} : vector<2048xf32> to vector<128xf32>
    %broadcast_in_dim3A_133 = vector.shape_cast %slice3A_132 : vector<128xf32> to vector<1x128xf32>
    %add3A_134 = vector.broadcast %get3A_5 : vector<2048x1xf32> to vector<2048x128xf32>
    %add3A_135 = vector.broadcast %broadcast_in_dim3A_133 : vector<1x128xf32> to vector<2048x128xf32>
    %add3A_136 = arith.addf %add3A_134, %add3A_135 : vector<2048x128xf32>
    %slice3A_137 = vector.extract_strided_slice %dot_general3A_13 {offsets = [0, 1280], sizes = [2048, 128], strides = [1, 1]} : vector<2048x2048xf32> to vector<2048x128xf32>
    %sub3A_138 = arith.subf %add3A_136, %slice3A_137 : vector<2048x128xf32>
    %lt3A_139 = arith.cmpf olt, %sub3A_138, %select_n3A_127 : vector<2048x128xf32>
    %select_n3A_140 = arith.select %lt3A_139, %sub3A_138, %select_n3A_127 : vector<2048x128xi1>, vector<2048x128xf32>
    %add3A_141 = arith.constant 1280 : i32
    %add3A_142 = vector.broadcast %add3A_141 : i32 to vector<2048x128xi32>
    %add3A_143 = arith.addi %iota3A, %add3A_142 : vector<2048x128xi32>
    %select_n3A_144 = arith.select %lt3A_139, %add3A_143, %select_n3A_131 : vector<2048x128xi1>, vector<2048x128xi32>
    %slice3A_145 = vector.extract_strided_slice %get3A_12 {offsets = [1408], sizes = [128], strides = [1]} : vector<2048xf32> to vector<128xf32>
    %broadcast_in_dim3A_146 = vector.shape_cast %slice3A_145 : vector<128xf32> to vector<1x128xf32>
    %add3A_147 = vector.broadcast %get3A_5 : vector<2048x1xf32> to vector<2048x128xf32>
    %add3A_148 = vector.broadcast %broadcast_in_dim3A_146 : vector<1x128xf32> to vector<2048x128xf32>
    %add3A_149 = arith.addf %add3A_147, %add3A_148 : vector<2048x128xf32>
    %slice3A_150 = vector.extract_strided_slice %dot_general3A_13 {offsets = [0, 1408], sizes = [2048, 128], strides = [1, 1]} : vector<2048x2048xf32> to vector<2048x128xf32>
    %sub3A_151 = arith.subf %add3A_149, %slice3A_150 : vector<2048x128xf32>
    %lt3A_152 = arith.cmpf olt, %sub3A_151, %select_n3A_140 : vector<2048x128xf32>
    %select_n3A_153 = arith.select %lt3A_152, %sub3A_151, %select_n3A_140 : vector<2048x128xi1>, vector<2048x128xf32>
    %add3A_154 = arith.constant 1408 : i32
    %add3A_155 = vector.broadcast %add3A_154 : i32 to vector<2048x128xi32>
    %add3A_156 = arith.addi %iota3A, %add3A_155 : vector<2048x128xi32>
    %select_n3A_157 = arith.select %lt3A_152, %add3A_156, %select_n3A_144 : vector<2048x128xi1>, vector<2048x128xi32>
    %slice3A_158 = vector.extract_strided_slice %get3A_12 {offsets = [1536], sizes = [128], strides = [1]} : vector<2048xf32> to vector<128xf32>
    %broadcast_in_dim3A_159 = vector.shape_cast %slice3A_158 : vector<128xf32> to vector<1x128xf32>
    %add3A_160 = vector.broadcast %get3A_5 : vector<2048x1xf32> to vector<2048x128xf32>
    %add3A_161 = vector.broadcast %broadcast_in_dim3A_159 : vector<1x128xf32> to vector<2048x128xf32>
    %add3A_162 = arith.addf %add3A_160, %add3A_161 : vector<2048x128xf32>
    %slice3A_163 = vector.extract_strided_slice %dot_general3A_13 {offsets = [0, 1536], sizes = [2048, 128], strides = [1, 1]} : vector<2048x2048xf32> to vector<2048x128xf32>
    %sub3A_164 = arith.subf %add3A_162, %slice3A_163 : vector<2048x128xf32>
    %lt3A_165 = arith.cmpf olt, %sub3A_164, %select_n3A_153 : vector<2048x128xf32>
    %select_n3A_166 = arith.select %lt3A_165, %sub3A_164, %select_n3A_153 : vector<2048x128xi1>, vector<2048x128xf32>
    %add3A_167 = arith.constant 1536 : i32
    %add3A_168 = vector.broadcast %add3A_167 : i32 to vector<2048x128xi32>
    %add3A_169 = arith.addi %iota3A, %add3A_168 : vector<2048x128xi32>
    %select_n3A_170 = arith.select %lt3A_165, %add3A_169, %select_n3A_157 : vector<2048x128xi1>, vector<2048x128xi32>
    %slice3A_171 = vector.extract_strided_slice %get3A_12 {offsets = [1664], sizes = [128], strides = [1]} : vector<2048xf32> to vector<128xf32>
    %broadcast_in_dim3A_172 = vector.shape_cast %slice3A_171 : vector<128xf32> to vector<1x128xf32>
    %add3A_173 = vector.broadcast %get3A_5 : vector<2048x1xf32> to vector<2048x128xf32>
    %add3A_174 = vector.broadcast %broadcast_in_dim3A_172 : vector<1x128xf32> to vector<2048x128xf32>
    %add3A_175 = arith.addf %add3A_173, %add3A_174 : vector<2048x128xf32>
    %slice3A_176 = vector.extract_strided_slice %dot_general3A_13 {offsets = [0, 1664], sizes = [2048, 128], strides = [1, 1]} : vector<2048x2048xf32> to vector<2048x128xf32>
    %sub3A_177 = arith.subf %add3A_175, %slice3A_176 : vector<2048x128xf32>
    %lt3A_178 = arith.cmpf olt, %sub3A_177, %select_n3A_166 : vector<2048x128xf32>
    %select_n3A_179 = arith.select %lt3A_178, %sub3A_177, %select_n3A_166 : vector<2048x128xi1>, vector<2048x128xf32>
    %add3A_180 = arith.constant 1664 : i32
    %add3A_181 = vector.broadcast %add3A_180 : i32 to vector<2048x128xi32>
    %add3A_182 = arith.addi %iota3A, %add3A_181 : vector<2048x128xi32>
    %select_n3A_183 = arith.select %lt3A_178, %add3A_182, %select_n3A_170 : vector<2048x128xi1>, vector<2048x128xi32>
    %slice3A_184 = vector.extract_strided_slice %get3A_12 {offsets = [1792], sizes = [128], strides = [1]} : vector<2048xf32> to vector<128xf32>
    %broadcast_in_dim3A_185 = vector.shape_cast %slice3A_184 : vector<128xf32> to vector<1x128xf32>
    %add3A_186 = vector.broadcast %get3A_5 : vector<2048x1xf32> to vector<2048x128xf32>
    %add3A_187 = vector.broadcast %broadcast_in_dim3A_185 : vector<1x128xf32> to vector<2048x128xf32>
    %add3A_188 = arith.addf %add3A_186, %add3A_187 : vector<2048x128xf32>
    %slice3A_189 = vector.extract_strided_slice %dot_general3A_13 {offsets = [0, 1792], sizes = [2048, 128], strides = [1, 1]} : vector<2048x2048xf32> to vector<2048x128xf32>
    %sub3A_190 = arith.subf %add3A_188, %slice3A_189 : vector<2048x128xf32>
    %lt3A_191 = arith.cmpf olt, %sub3A_190, %select_n3A_179 : vector<2048x128xf32>
    %select_n3A_192 = arith.select %lt3A_191, %sub3A_190, %select_n3A_179 : vector<2048x128xi1>, vector<2048x128xf32>
    %add3A_193 = arith.constant 1792 : i32
    %add3A_194 = vector.broadcast %add3A_193 : i32 to vector<2048x128xi32>
    %add3A_195 = arith.addi %iota3A, %add3A_194 : vector<2048x128xi32>
    %select_n3A_196 = arith.select %lt3A_191, %add3A_195, %select_n3A_183 : vector<2048x128xi1>, vector<2048x128xi32>
    %slice3A_197 = vector.extract_strided_slice %get3A_12 {offsets = [1920], sizes = [128], strides = [1]} : vector<2048xf32> to vector<128xf32>
    %broadcast_in_dim3A_198 = vector.shape_cast %slice3A_197 : vector<128xf32> to vector<1x128xf32>
    %add3A_199 = vector.broadcast %get3A_5 : vector<2048x1xf32> to vector<2048x128xf32>
    %add3A_200 = vector.broadcast %broadcast_in_dim3A_198 : vector<1x128xf32> to vector<2048x128xf32>
    %add3A_201 = arith.addf %add3A_199, %add3A_200 : vector<2048x128xf32>
    %slice3A_202 = vector.extract_strided_slice %dot_general3A_13 {offsets = [0, 1920], sizes = [2048, 128], strides = [1, 1]} : vector<2048x2048xf32> to vector<2048x128xf32>
    %sub3A_203 = arith.subf %add3A_201, %slice3A_202 : vector<2048x128xf32>
    %lt3A_204 = arith.cmpf olt, %sub3A_203, %select_n3A_192 : vector<2048x128xf32>
    %select_n3A_205 = arith.select %lt3A_204, %sub3A_203, %select_n3A_192 : vector<2048x128xi1>, vector<2048x128xf32>
    %add3A_206 = arith.constant 1920 : i32
    %add3A_207 = vector.broadcast %add3A_206 : i32 to vector<2048x128xi32>
    %add3A_208 = arith.addi %iota3A, %add3A_207 : vector<2048x128xi32>
    %select_n3A_209 = arith.select %lt3A_204, %add3A_208, %select_n3A_196 : vector<2048x128xi1>, vector<2048x128xi32>
    %reduce_min3A = arith.constant dense<0x7F800000> : vector<2048xf32>
    %reduce_min3A_210 = vector.multi_reduction <minimumf>, %select_n3A_205, %reduce_min3A [1] : vector<2048x128xf32> to vector<2048xf32>
    %broadcast_in_dim3A_211 = vector.shape_cast %reduce_min3A_210 : vector<2048xf32> to vector<2048x1xf32>
    %eq3A = vector.broadcast %broadcast_in_dim3A_211 : vector<2048x1xf32> to vector<2048x128xf32>
    %eq3A_212 = arith.cmpf oeq, %select_n3A_205, %eq3A : vector<2048x128xf32>
    %jit3A = arith.constant 8192 : i32
    %broadcast_in_dim3A_213 = vector.broadcast %jit3A : i32 to vector<2048x128xi32>
    %select_n3A_214 = arith.select %eq3A_212, %select_n3A_209, %broadcast_in_dim3A_213 : vector<2048x128xi1>, vector<2048x128xi32>
    %reduce_min3A_215 = arith.constant dense<2147483647> : vector<2048xi32>
    %reduce_min3A_216 = vector.multi_reduction <minsi>, %select_n3A_214, %reduce_min3A_215 [1] : vector<2048x128xi32> to vector<2048xi32>
    %add3A_217 = arith.constant 0 : i32
    %add3A_218 = vector.broadcast %add3A_217 : i32 to vector<2048xi32>
    %add3A_219 = arith.addi %reduce_min3A_216, %add3A_218 : vector<2048xi32>
    %convert_element_type3A_220 = arith.truncf %reduce_min3A_210 : vector<2048xf32> to vector<2048xbf16>
    %convert_element_type3A_221 = arith.extf %convert_element_type3A_220 : vector<2048xbf16> to vector<2048xf32>
    %get3A_222 = arith.constant 0 : index
    %get3A_223 = arith.constant 2048 : index
    %get3A_224 = vector.load %arg3[%get3A_222, %get3A_223] : memref<32x8192xf32, #tpu.memory_space<vmem>>, vector<32x2048xf32>
    %get3A_225 = arith.constant 0 : index
    %get3A_226 = arith.constant 2048 : index
    %get3A_227 = vector.load %arg4[%get3A_225, %get3A_226] : memref<1x8192xf32, #tpu.memory_space<vmem>>, vector<1x2048xf32>
    %get3A_228 = vector.shape_cast %get3A_227 : vector<1x2048xf32> to vector<2048xf32>
    %dot_general3A_229 = arith.constant dense<0.000000e+00> : vector<2048x2048xf32>
    %dot_general3A_230 = tpu.matmul %convert_element_type3A_2, %get3A_224, %dot_general3A_229 {dimension_numbers = #tpu.dot_dimension_numbers<[1], [0], [0], [1], [0, 0, 1, 1], [], []>, transpose_lhs_hint = false} : vector<2048x32xf32>, vector<32x2048xf32>, vector<2048x2048xf32> -> vector<2048x2048xf32>
    %iota3A_231 = tpu.iota {dimensions = array<i32: 1>} : vector<2048x128xi32>
    %slice3A_232 = vector.extract_strided_slice %get3A_228 {offsets = [0], sizes = [128], strides = [1]} : vector<2048xf32> to vector<128xf32>
    %broadcast_in_dim3A_233 = vector.shape_cast %slice3A_232 : vector<128xf32> to vector<1x128xf32>
    %add3A_234 = vector.broadcast %get3A_5 : vector<2048x1xf32> to vector<2048x128xf32>
    %add3A_235 = vector.broadcast %broadcast_in_dim3A_233 : vector<1x128xf32> to vector<2048x128xf32>
    %add3A_236 = arith.addf %add3A_234, %add3A_235 : vector<2048x128xf32>
    %slice3A_237 = vector.extract_strided_slice %dot_general3A_230 {offsets = [0, 0], sizes = [2048, 128], strides = [1, 1]} : vector<2048x2048xf32> to vector<2048x128xf32>
    %sub3A_238 = arith.subf %add3A_236, %slice3A_237 : vector<2048x128xf32>
    %slice3A_239 = vector.extract_strided_slice %get3A_228 {offsets = [128], sizes = [128], strides = [1]} : vector<2048xf32> to vector<128xf32>
    %broadcast_in_dim3A_240 = vector.shape_cast %slice3A_239 : vector<128xf32> to vector<1x128xf32>
    %add3A_241 = vector.broadcast %get3A_5 : vector<2048x1xf32> to vector<2048x128xf32>
    %add3A_242 = vector.broadcast %broadcast_in_dim3A_240 : vector<1x128xf32> to vector<2048x128xf32>
    %add3A_243 = arith.addf %add3A_241, %add3A_242 : vector<2048x128xf32>
    %slice3A_244 = vector.extract_strided_slice %dot_general3A_230 {offsets = [0, 128], sizes = [2048, 128], strides = [1, 1]} : vector<2048x2048xf32> to vector<2048x128xf32>
    %sub3A_245 = arith.subf %add3A_243, %slice3A_244 : vector<2048x128xf32>
    %lt3A_246 = arith.cmpf olt, %sub3A_245, %sub3A_238 : vector<2048x128xf32>
    %select_n3A_247 = arith.select %lt3A_246, %sub3A_245, %sub3A_238 : vector<2048x128xi1>, vector<2048x128xf32>
    %add3A_248 = arith.constant 128 : i32
    %add3A_249 = vector.broadcast %add3A_248 : i32 to vector<2048x128xi32>
    %add3A_250 = arith.addi %iota3A_231, %add3A_249 : vector<2048x128xi32>
    %select_n3A_251 = arith.select %lt3A_246, %add3A_250, %iota3A_231 : vector<2048x128xi1>, vector<2048x128xi32>
    %slice3A_252 = vector.extract_strided_slice %get3A_228 {offsets = [256], sizes = [128], strides = [1]} : vector<2048xf32> to vector<128xf32>
    %broadcast_in_dim3A_253 = vector.shape_cast %slice3A_252 : vector<128xf32> to vector<1x128xf32>
    %add3A_254 = vector.broadcast %get3A_5 : vector<2048x1xf32> to vector<2048x128xf32>
    %add3A_255 = vector.broadcast %broadcast_in_dim3A_253 : vector<1x128xf32> to vector<2048x128xf32>
    %add3A_256 = arith.addf %add3A_254, %add3A_255 : vector<2048x128xf32>
    %slice3A_257 = vector.extract_strided_slice %dot_general3A_230 {offsets = [0, 256], sizes = [2048, 128], strides = [1, 1]} : vector<2048x2048xf32> to vector<2048x128xf32>
    %sub3A_258 = arith.subf %add3A_256, %slice3A_257 : vector<2048x128xf32>
    %lt3A_259 = arith.cmpf olt, %sub3A_258, %select_n3A_247 : vector<2048x128xf32>
    %select_n3A_260 = arith.select %lt3A_259, %sub3A_258, %select_n3A_247 : vector<2048x128xi1>, vector<2048x128xf32>
    %add3A_261 = arith.constant 256 : i32
    %add3A_262 = vector.broadcast %add3A_261 : i32 to vector<2048x128xi32>
    %add3A_263 = arith.addi %iota3A_231, %add3A_262 : vector<2048x128xi32>
    %select_n3A_264 = arith.select %lt3A_259, %add3A_263, %select_n3A_251 : vector<2048x128xi1>, vector<2048x128xi32>
    %slice3A_265 = vector.extract_strided_slice %get3A_228 {offsets = [384], sizes = [128], strides = [1]} : vector<2048xf32> to vector<128xf32>
    %broadcast_in_dim3A_266 = vector.shape_cast %slice3A_265 : vector<128xf32> to vector<1x128xf32>
    %add3A_267 = vector.broadcast %get3A_5 : vector<2048x1xf32> to vector<2048x128xf32>
    %add3A_268 = vector.broadcast %broadcast_in_dim3A_266 : vector<1x128xf32> to vector<2048x128xf32>
    %add3A_269 = arith.addf %add3A_267, %add3A_268 : vector<2048x128xf32>
    %slice3A_270 = vector.extract_strided_slice %dot_general3A_230 {offsets = [0, 384], sizes = [2048, 128], strides = [1, 1]} : vector<2048x2048xf32> to vector<2048x128xf32>
    %sub3A_271 = arith.subf %add3A_269, %slice3A_270 : vector<2048x128xf32>
    %lt3A_272 = arith.cmpf olt, %sub3A_271, %select_n3A_260 : vector<2048x128xf32>
    %select_n3A_273 = arith.select %lt3A_272, %sub3A_271, %select_n3A_260 : vector<2048x128xi1>, vector<2048x128xf32>
    %add3A_274 = arith.constant 384 : i32
    %add3A_275 = vector.broadcast %add3A_274 : i32 to vector<2048x128xi32>
    %add3A_276 = arith.addi %iota3A_231, %add3A_275 : vector<2048x128xi32>
    %select_n3A_277 = arith.select %lt3A_272, %add3A_276, %select_n3A_264 : vector<2048x128xi1>, vector<2048x128xi32>
    %slice3A_278 = vector.extract_strided_slice %get3A_228 {offsets = [512], sizes = [128], strides = [1]} : vector<2048xf32> to vector<128xf32>
    %broadcast_in_dim3A_279 = vector.shape_cast %slice3A_278 : vector<128xf32> to vector<1x128xf32>
    %add3A_280 = vector.broadcast %get3A_5 : vector<2048x1xf32> to vector<2048x128xf32>
    %add3A_281 = vector.broadcast %broadcast_in_dim3A_279 : vector<1x128xf32> to vector<2048x128xf32>
    %add3A_282 = arith.addf %add3A_280, %add3A_281 : vector<2048x128xf32>
    %slice3A_283 = vector.extract_strided_slice %dot_general3A_230 {offsets = [0, 512], sizes = [2048, 128], strides = [1, 1]} : vector<2048x2048xf32> to vector<2048x128xf32>
    %sub3A_284 = arith.subf %add3A_282, %slice3A_283 : vector<2048x128xf32>
    %lt3A_285 = arith.cmpf olt, %sub3A_284, %select_n3A_273 : vector<2048x128xf32>
    %select_n3A_286 = arith.select %lt3A_285, %sub3A_284, %select_n3A_273 : vector<2048x128xi1>, vector<2048x128xf32>
    %add3A_287 = arith.constant 512 : i32
    %add3A_288 = vector.broadcast %add3A_287 : i32 to vector<2048x128xi32>
    %add3A_289 = arith.addi %iota3A_231, %add3A_288 : vector<2048x128xi32>
    %select_n3A_290 = arith.select %lt3A_285, %add3A_289, %select_n3A_277 : vector<2048x128xi1>, vector<2048x128xi32>
    %slice3A_291 = vector.extract_strided_slice %get3A_228 {offsets = [640], sizes = [128], strides = [1]} : vector<2048xf32> to vector<128xf32>
    %broadcast_in_dim3A_292 = vector.shape_cast %slice3A_291 : vector<128xf32> to vector<1x128xf32>
    %add3A_293 = vector.broadcast %get3A_5 : vector<2048x1xf32> to vector<2048x128xf32>
    %add3A_294 = vector.broadcast %broadcast_in_dim3A_292 : vector<1x128xf32> to vector<2048x128xf32>
    %add3A_295 = arith.addf %add3A_293, %add3A_294 : vector<2048x128xf32>
    %slice3A_296 = vector.extract_strided_slice %dot_general3A_230 {offsets = [0, 640], sizes = [2048, 128], strides = [1, 1]} : vector<2048x2048xf32> to vector<2048x128xf32>
    %sub3A_297 = arith.subf %add3A_295, %slice3A_296 : vector<2048x128xf32>
    %lt3A_298 = arith.cmpf olt, %sub3A_297, %select_n3A_286 : vector<2048x128xf32>
    %select_n3A_299 = arith.select %lt3A_298, %sub3A_297, %select_n3A_286 : vector<2048x128xi1>, vector<2048x128xf32>
    %add3A_300 = arith.constant 640 : i32
    %add3A_301 = vector.broadcast %add3A_300 : i32 to vector<2048x128xi32>
    %add3A_302 = arith.addi %iota3A_231, %add3A_301 : vector<2048x128xi32>
    %select_n3A_303 = arith.select %lt3A_298, %add3A_302, %select_n3A_290 : vector<2048x128xi1>, vector<2048x128xi32>
    %slice3A_304 = vector.extract_strided_slice %get3A_228 {offsets = [768], sizes = [128], strides = [1]} : vector<2048xf32> to vector<128xf32>
    %broadcast_in_dim3A_305 = vector.shape_cast %slice3A_304 : vector<128xf32> to vector<1x128xf32>
    %add3A_306 = vector.broadcast %get3A_5 : vector<2048x1xf32> to vector<2048x128xf32>
    %add3A_307 = vector.broadcast %broadcast_in_dim3A_305 : vector<1x128xf32> to vector<2048x128xf32>
    %add3A_308 = arith.addf %add3A_306, %add3A_307 : vector<2048x128xf32>
    %slice3A_309 = vector.extract_strided_slice %dot_general3A_230 {offsets = [0, 768], sizes = [2048, 128], strides = [1, 1]} : vector<2048x2048xf32> to vector<2048x128xf32>
    %sub3A_310 = arith.subf %add3A_308, %slice3A_309 : vector<2048x128xf32>
    %lt3A_311 = arith.cmpf olt, %sub3A_310, %select_n3A_299 : vector<2048x128xf32>
    %select_n3A_312 = arith.select %lt3A_311, %sub3A_310, %select_n3A_299 : vector<2048x128xi1>, vector<2048x128xf32>
    %add3A_313 = arith.constant 768 : i32
    %add3A_314 = vector.broadcast %add3A_313 : i32 to vector<2048x128xi32>
    %add3A_315 = arith.addi %iota3A_231, %add3A_314 : vector<2048x128xi32>
    %select_n3A_316 = arith.select %lt3A_311, %add3A_315, %select_n3A_303 : vector<2048x128xi1>, vector<2048x128xi32>
    %slice3A_317 = vector.extract_strided_slice %get3A_228 {offsets = [896], sizes = [128], strides = [1]} : vector<2048xf32> to vector<128xf32>
    %broadcast_in_dim3A_318 = vector.shape_cast %slice3A_317 : vector<128xf32> to vector<1x128xf32>
    %add3A_319 = vector.broadcast %get3A_5 : vector<2048x1xf32> to vector<2048x128xf32>
    %add3A_320 = vector.broadcast %broadcast_in_dim3A_318 : vector<1x128xf32> to vector<2048x128xf32>
    %add3A_321 = arith.addf %add3A_319, %add3A_320 : vector<2048x128xf32>
    %slice3A_322 = vector.extract_strided_slice %dot_general3A_230 {offsets = [0, 896], sizes = [2048, 128], strides = [1, 1]} : vector<2048x2048xf32> to vector<2048x128xf32>
    %sub3A_323 = arith.subf %add3A_321, %slice3A_322 : vector<2048x128xf32>
    %lt3A_324 = arith.cmpf olt, %sub3A_323, %select_n3A_312 : vector<2048x128xf32>
    %select_n3A_325 = arith.select %lt3A_324, %sub3A_323, %select_n3A_312 : vector<2048x128xi1>, vector<2048x128xf32>
    %add3A_326 = arith.constant 896 : i32
    %add3A_327 = vector.broadcast %add3A_326 : i32 to vector<2048x128xi32>
    %add3A_328 = arith.addi %iota3A_231, %add3A_327 : vector<2048x128xi32>
    %select_n3A_329 = arith.select %lt3A_324, %add3A_328, %select_n3A_316 : vector<2048x128xi1>, vector<2048x128xi32>
    %slice3A_330 = vector.extract_strided_slice %get3A_228 {offsets = [1024], sizes = [128], strides = [1]} : vector<2048xf32> to vector<128xf32>
    %broadcast_in_dim3A_331 = vector.shape_cast %slice3A_330 : vector<128xf32> to vector<1x128xf32>
    %add3A_332 = vector.broadcast %get3A_5 : vector<2048x1xf32> to vector<2048x128xf32>
    %add3A_333 = vector.broadcast %broadcast_in_dim3A_331 : vector<1x128xf32> to vector<2048x128xf32>
    %add3A_334 = arith.addf %add3A_332, %add3A_333 : vector<2048x128xf32>
    %slice3A_335 = vector.extract_strided_slice %dot_general3A_230 {offsets = [0, 1024], sizes = [2048, 128], strides = [1, 1]} : vector<2048x2048xf32> to vector<2048x128xf32>
    %sub3A_336 = arith.subf %add3A_334, %slice3A_335 : vector<2048x128xf32>
    %lt3A_337 = arith.cmpf olt, %sub3A_336, %select_n3A_325 : vector<2048x128xf32>
    %select_n3A_338 = arith.select %lt3A_337, %sub3A_336, %select_n3A_325 : vector<2048x128xi1>, vector<2048x128xf32>
    %add3A_339 = arith.constant 1024 : i32
    %add3A_340 = vector.broadcast %add3A_339 : i32 to vector<2048x128xi32>
    %add3A_341 = arith.addi %iota3A_231, %add3A_340 : vector<2048x128xi32>
    %select_n3A_342 = arith.select %lt3A_337, %add3A_341, %select_n3A_329 : vector<2048x128xi1>, vector<2048x128xi32>
    %slice3A_343 = vector.extract_strided_slice %get3A_228 {offsets = [1152], sizes = [128], strides = [1]} : vector<2048xf32> to vector<128xf32>
    %broadcast_in_dim3A_344 = vector.shape_cast %slice3A_343 : vector<128xf32> to vector<1x128xf32>
    %add3A_345 = vector.broadcast %get3A_5 : vector<2048x1xf32> to vector<2048x128xf32>
    %add3A_346 = vector.broadcast %broadcast_in_dim3A_344 : vector<1x128xf32> to vector<2048x128xf32>
    %add3A_347 = arith.addf %add3A_345, %add3A_346 : vector<2048x128xf32>
    %slice3A_348 = vector.extract_strided_slice %dot_general3A_230 {offsets = [0, 1152], sizes = [2048, 128], strides = [1, 1]} : vector<2048x2048xf32> to vector<2048x128xf32>
    %sub3A_349 = arith.subf %add3A_347, %slice3A_348 : vector<2048x128xf32>
    %lt3A_350 = arith.cmpf olt, %sub3A_349, %select_n3A_338 : vector<2048x128xf32>
    %select_n3A_351 = arith.select %lt3A_350, %sub3A_349, %select_n3A_338 : vector<2048x128xi1>, vector<2048x128xf32>
    %add3A_352 = arith.constant 1152 : i32
    %add3A_353 = vector.broadcast %add3A_352 : i32 to vector<2048x128xi32>
    %add3A_354 = arith.addi %iota3A_231, %add3A_353 : vector<2048x128xi32>
    %select_n3A_355 = arith.select %lt3A_350, %add3A_354, %select_n3A_342 : vector<2048x128xi1>, vector<2048x128xi32>
    %slice3A_356 = vector.extract_strided_slice %get3A_228 {offsets = [1280], sizes = [128], strides = [1]} : vector<2048xf32> to vector<128xf32>
    %broadcast_in_dim3A_357 = vector.shape_cast %slice3A_356 : vector<128xf32> to vector<1x128xf32>
    %add3A_358 = vector.broadcast %get3A_5 : vector<2048x1xf32> to vector<2048x128xf32>
    %add3A_359 = vector.broadcast %broadcast_in_dim3A_357 : vector<1x128xf32> to vector<2048x128xf32>
    %add3A_360 = arith.addf %add3A_358, %add3A_359 : vector<2048x128xf32>
    %slice3A_361 = vector.extract_strided_slice %dot_general3A_230 {offsets = [0, 1280], sizes = [2048, 128], strides = [1, 1]} : vector<2048x2048xf32> to vector<2048x128xf32>
    %sub3A_362 = arith.subf %add3A_360, %slice3A_361 : vector<2048x128xf32>
    %lt3A_363 = arith.cmpf olt, %sub3A_362, %select_n3A_351 : vector<2048x128xf32>
    %select_n3A_364 = arith.select %lt3A_363, %sub3A_362, %select_n3A_351 : vector<2048x128xi1>, vector<2048x128xf32>
    %add3A_365 = arith.constant 1280 : i32
    %add3A_366 = vector.broadcast %add3A_365 : i32 to vector<2048x128xi32>
    %add3A_367 = arith.addi %iota3A_231, %add3A_366 : vector<2048x128xi32>
    %select_n3A_368 = arith.select %lt3A_363, %add3A_367, %select_n3A_355 : vector<2048x128xi1>, vector<2048x128xi32>
    %slice3A_369 = vector.extract_strided_slice %get3A_228 {offsets = [1408], sizes = [128], strides = [1]} : vector<2048xf32> to vector<128xf32>
    %broadcast_in_dim3A_370 = vector.shape_cast %slice3A_369 : vector<128xf32> to vector<1x128xf32>
    %add3A_371 = vector.broadcast %get3A_5 : vector<2048x1xf32> to vector<2048x128xf32>
    %add3A_372 = vector.broadcast %broadcast_in_dim3A_370 : vector<1x128xf32> to vector<2048x128xf32>
    %add3A_373 = arith.addf %add3A_371, %add3A_372 : vector<2048x128xf32>
    %slice3A_374 = vector.extract_strided_slice %dot_general3A_230 {offsets = [0, 1408], sizes = [2048, 128], strides = [1, 1]} : vector<2048x2048xf32> to vector<2048x128xf32>
    %sub3A_375 = arith.subf %add3A_373, %slice3A_374 : vector<2048x128xf32>
    %lt3A_376 = arith.cmpf olt, %sub3A_375, %select_n3A_364 : vector<2048x128xf32>
    %select_n3A_377 = arith.select %lt3A_376, %sub3A_375, %select_n3A_364 : vector<2048x128xi1>, vector<2048x128xf32>
    %add3A_378 = arith.constant 1408 : i32
    %add3A_379 = vector.broadcast %add3A_378 : i32 to vector<2048x128xi32>
    %add3A_380 = arith.addi %iota3A_231, %add3A_379 : vector<2048x128xi32>
    %select_n3A_381 = arith.select %lt3A_376, %add3A_380, %select_n3A_368 : vector<2048x128xi1>, vector<2048x128xi32>
    %slice3A_382 = vector.extract_strided_slice %get3A_228 {offsets = [1536], sizes = [128], strides = [1]} : vector<2048xf32> to vector<128xf32>
    %broadcast_in_dim3A_383 = vector.shape_cast %slice3A_382 : vector<128xf32> to vector<1x128xf32>
    %add3A_384 = vector.broadcast %get3A_5 : vector<2048x1xf32> to vector<2048x128xf32>
    %add3A_385 = vector.broadcast %broadcast_in_dim3A_383 : vector<1x128xf32> to vector<2048x128xf32>
    %add3A_386 = arith.addf %add3A_384, %add3A_385 : vector<2048x128xf32>
    %slice3A_387 = vector.extract_strided_slice %dot_general3A_230 {offsets = [0, 1536], sizes = [2048, 128], strides = [1, 1]} : vector<2048x2048xf32> to vector<2048x128xf32>
    %sub3A_388 = arith.subf %add3A_386, %slice3A_387 : vector<2048x128xf32>
    %lt3A_389 = arith.cmpf olt, %sub3A_388, %select_n3A_377 : vector<2048x128xf32>
    %select_n3A_390 = arith.select %lt3A_389, %sub3A_388, %select_n3A_377 : vector<2048x128xi1>, vector<2048x128xf32>
    %add3A_391 = arith.constant 1536 : i32
    %add3A_392 = vector.broadcast %add3A_391 : i32 to vector<2048x128xi32>
    %add3A_393 = arith.addi %iota3A_231, %add3A_392 : vector<2048x128xi32>
    %select_n3A_394 = arith.select %lt3A_389, %add3A_393, %select_n3A_381 : vector<2048x128xi1>, vector<2048x128xi32>
    %slice3A_395 = vector.extract_strided_slice %get3A_228 {offsets = [1664], sizes = [128], strides = [1]} : vector<2048xf32> to vector<128xf32>
    %broadcast_in_dim3A_396 = vector.shape_cast %slice3A_395 : vector<128xf32> to vector<1x128xf32>
    %add3A_397 = vector.broadcast %get3A_5 : vector<2048x1xf32> to vector<2048x128xf32>
    %add3A_398 = vector.broadcast %broadcast_in_dim3A_396 : vector<1x128xf32> to vector<2048x128xf32>
    %add3A_399 = arith.addf %add3A_397, %add3A_398 : vector<2048x128xf32>
    %slice3A_400 = vector.extract_strided_slice %dot_general3A_230 {offsets = [0, 1664], sizes = [2048, 128], strides = [1, 1]} : vector<2048x2048xf32> to vector<2048x128xf32>
    %sub3A_401 = arith.subf %add3A_399, %slice3A_400 : vector<2048x128xf32>
    %lt3A_402 = arith.cmpf olt, %sub3A_401, %select_n3A_390 : vector<2048x128xf32>
    %select_n3A_403 = arith.select %lt3A_402, %sub3A_401, %select_n3A_390 : vector<2048x128xi1>, vector<2048x128xf32>
    %add3A_404 = arith.constant 1664 : i32
    %add3A_405 = vector.broadcast %add3A_404 : i32 to vector<2048x128xi32>
    %add3A_406 = arith.addi %iota3A_231, %add3A_405 : vector<2048x128xi32>
    %select_n3A_407 = arith.select %lt3A_402, %add3A_406, %select_n3A_394 : vector<2048x128xi1>, vector<2048x128xi32>
    %slice3A_408 = vector.extract_strided_slice %get3A_228 {offsets = [1792], sizes = [128], strides = [1]} : vector<2048xf32> to vector<128xf32>
    %broadcast_in_dim3A_409 = vector.shape_cast %slice3A_408 : vector<128xf32> to vector<1x128xf32>
    %add3A_410 = vector.broadcast %get3A_5 : vector<2048x1xf32> to vector<2048x128xf32>
    %add3A_411 = vector.broadcast %broadcast_in_dim3A_409 : vector<1x128xf32> to vector<2048x128xf32>
    %add3A_412 = arith.addf %add3A_410, %add3A_411 : vector<2048x128xf32>
    %slice3A_413 = vector.extract_strided_slice %dot_general3A_230 {offsets = [0, 1792], sizes = [2048, 128], strides = [1, 1]} : vector<2048x2048xf32> to vector<2048x128xf32>
    %sub3A_414 = arith.subf %add3A_412, %slice3A_413 : vector<2048x128xf32>
    %lt3A_415 = arith.cmpf olt, %sub3A_414, %select_n3A_403 : vector<2048x128xf32>
    %select_n3A_416 = arith.select %lt3A_415, %sub3A_414, %select_n3A_403 : vector<2048x128xi1>, vector<2048x128xf32>
    %add3A_417 = arith.constant 1792 : i32
    %add3A_418 = vector.broadcast %add3A_417 : i32 to vector<2048x128xi32>
    %add3A_419 = arith.addi %iota3A_231, %add3A_418 : vector<2048x128xi32>
    %select_n3A_420 = arith.select %lt3A_415, %add3A_419, %select_n3A_407 : vector<2048x128xi1>, vector<2048x128xi32>
    %slice3A_421 = vector.extract_strided_slice %get3A_228 {offsets = [1920], sizes = [128], strides = [1]} : vector<2048xf32> to vector<128xf32>
    %broadcast_in_dim3A_422 = vector.shape_cast %slice3A_421 : vector<128xf32> to vector<1x128xf32>
    %add3A_423 = vector.broadcast %get3A_5 : vector<2048x1xf32> to vector<2048x128xf32>
    %add3A_424 = vector.broadcast %broadcast_in_dim3A_422 : vector<1x128xf32> to vector<2048x128xf32>
    %add3A_425 = arith.addf %add3A_423, %add3A_424 : vector<2048x128xf32>
    %slice3A_426 = vector.extract_strided_slice %dot_general3A_230 {offsets = [0, 1920], sizes = [2048, 128], strides = [1, 1]} : vector<2048x2048xf32> to vector<2048x128xf32>
    %sub3A_427 = arith.subf %add3A_425, %slice3A_426 : vector<2048x128xf32>
    %lt3A_428 = arith.cmpf olt, %sub3A_427, %select_n3A_416 : vector<2048x128xf32>
    %select_n3A_429 = arith.select %lt3A_428, %sub3A_427, %select_n3A_416 : vector<2048x128xi1>, vector<2048x128xf32>
    %add3A_430 = arith.constant 1920 : i32
    %add3A_431 = vector.broadcast %add3A_430 : i32 to vector<2048x128xi32>
    %add3A_432 = arith.addi %iota3A_231, %add3A_431 : vector<2048x128xi32>
    %select_n3A_433 = arith.select %lt3A_428, %add3A_432, %select_n3A_420 : vector<2048x128xi1>, vector<2048x128xi32>
    %reduce_min3A_434 = arith.constant dense<0x7F800000> : vector<2048xf32>
    %reduce_min3A_435 = vector.multi_reduction <minimumf>, %select_n3A_429, %reduce_min3A_434 [1] : vector<2048x128xf32> to vector<2048xf32>
    %broadcast_in_dim3A_436 = vector.shape_cast %reduce_min3A_435 : vector<2048xf32> to vector<2048x1xf32>
    %eq3A_437 = vector.broadcast %broadcast_in_dim3A_436 : vector<2048x1xf32> to vector<2048x128xf32>
    %eq3A_438 = arith.cmpf oeq, %select_n3A_429, %eq3A_437 : vector<2048x128xf32>
    %jit3A_439 = arith.constant 8192 : i32
    %broadcast_in_dim3A_440 = vector.broadcast %jit3A_439 : i32 to vector<2048x128xi32>
    %select_n3A_441 = arith.select %eq3A_438, %select_n3A_433, %broadcast_in_dim3A_440 : vector<2048x128xi1>, vector<2048x128xi32>
    %reduce_min3A_442 = arith.constant dense<2147483647> : vector<2048xi32>
    %reduce_min3A_443 = vector.multi_reduction <minsi>, %select_n3A_441, %reduce_min3A_442 [1] : vector<2048x128xi32> to vector<2048xi32>
    %add3A_444 = arith.constant 2048 : i32
    %add3A_445 = vector.broadcast %add3A_444 : i32 to vector<2048xi32>
    %add3A_446 = arith.addi %reduce_min3A_443, %add3A_445 : vector<2048xi32>
    %lt3A_447 = arith.cmpf olt, %reduce_min3A_435, %convert_element_type3A_221 : vector<2048xf32>
    %convert_element_type3A_448 = arith.truncf %reduce_min3A_435 : vector<2048xf32> to vector<2048xbf16>
    %convert_element_type3A_449 = arith.extf %convert_element_type3A_448 : vector<2048xbf16> to vector<2048xf32>
    %select_n3A_450 = arith.select %lt3A_447, %convert_element_type3A_449, %convert_element_type3A_221 : vector<2048xi1>, vector<2048xf32>
    %select_n3A_451 = arith.select %lt3A_447, %add3A_446, %add3A_219 : vector<2048xi1>, vector<2048xi32>
    %select_n3A_452 = arith.select %lt3A_447, %reduce_min3A_435, %reduce_min3A_210 : vector<2048xi1>, vector<2048xf32>
    %get3A_453 = arith.constant 0 : index
    %get3A_454 = arith.constant 4096 : index
    %get3A_455 = vector.load %arg3[%get3A_453, %get3A_454] : memref<32x8192xf32, #tpu.memory_space<vmem>>, vector<32x2048xf32>
    %get3A_456 = arith.constant 0 : index
    %get3A_457 = arith.constant 4096 : index
    %get3A_458 = vector.load %arg4[%get3A_456, %get3A_457] : memref<1x8192xf32, #tpu.memory_space<vmem>>, vector<1x2048xf32>
    %get3A_459 = vector.shape_cast %get3A_458 : vector<1x2048xf32> to vector<2048xf32>
    %dot_general3A_460 = arith.constant dense<0.000000e+00> : vector<2048x2048xf32>
    %dot_general3A_461 = tpu.matmul %convert_element_type3A_2, %get3A_455, %dot_general3A_460 {dimension_numbers = #tpu.dot_dimension_numbers<[1], [0], [0], [1], [0, 0, 1, 1], [], []>, transpose_lhs_hint = false} : vector<2048x32xf32>, vector<32x2048xf32>, vector<2048x2048xf32> -> vector<2048x2048xf32>
    %iota3A_462 = tpu.iota {dimensions = array<i32: 1>} : vector<2048x128xi32>
    %slice3A_463 = vector.extract_strided_slice %get3A_459 {offsets = [0], sizes = [128], strides = [1]} : vector<2048xf32> to vector<128xf32>
    %broadcast_in_dim3A_464 = vector.shape_cast %slice3A_463 : vector<128xf32> to vector<1x128xf32>
    %add3A_465 = vector.broadcast %get3A_5 : vector<2048x1xf32> to vector<2048x128xf32>
    %add3A_466 = vector.broadcast %broadcast_in_dim3A_464 : vector<1x128xf32> to vector<2048x128xf32>
    %add3A_467 = arith.addf %add3A_465, %add3A_466 : vector<2048x128xf32>
    %slice3A_468 = vector.extract_strided_slice %dot_general3A_461 {offsets = [0, 0], sizes = [2048, 128], strides = [1, 1]} : vector<2048x2048xf32> to vector<2048x128xf32>
    %sub3A_469 = arith.subf %add3A_467, %slice3A_468 : vector<2048x128xf32>
    %slice3A_470 = vector.extract_strided_slice %get3A_459 {offsets = [128], sizes = [128], strides = [1]} : vector<2048xf32> to vector<128xf32>
    %broadcast_in_dim3A_471 = vector.shape_cast %slice3A_470 : vector<128xf32> to vector<1x128xf32>
    %add3A_472 = vector.broadcast %get3A_5 : vector<2048x1xf32> to vector<2048x128xf32>
    %add3A_473 = vector.broadcast %broadcast_in_dim3A_471 : vector<1x128xf32> to vector<2048x128xf32>
    %add3A_474 = arith.addf %add3A_472, %add3A_473 : vector<2048x128xf32>
    %slice3A_475 = vector.extract_strided_slice %dot_general3A_461 {offsets = [0, 128], sizes = [2048, 128], strides = [1, 1]} : vector<2048x2048xf32> to vector<2048x128xf32>
    %sub3A_476 = arith.subf %add3A_474, %slice3A_475 : vector<2048x128xf32>
    %lt3A_477 = arith.cmpf olt, %sub3A_476, %sub3A_469 : vector<2048x128xf32>
    %select_n3A_478 = arith.select %lt3A_477, %sub3A_476, %sub3A_469 : vector<2048x128xi1>, vector<2048x128xf32>
    %add3A_479 = arith.constant 128 : i32
    %add3A_480 = vector.broadcast %add3A_479 : i32 to vector<2048x128xi32>
    %add3A_481 = arith.addi %iota3A_462, %add3A_480 : vector<2048x128xi32>
    %select_n3A_482 = arith.select %lt3A_477, %add3A_481, %iota3A_462 : vector<2048x128xi1>, vector<2048x128xi32>
    %slice3A_483 = vector.extract_strided_slice %get3A_459 {offsets = [256], sizes = [128], strides = [1]} : vector<2048xf32> to vector<128xf32>
    %broadcast_in_dim3A_484 = vector.shape_cast %slice3A_483 : vector<128xf32> to vector<1x128xf32>
    %add3A_485 = vector.broadcast %get3A_5 : vector<2048x1xf32> to vector<2048x128xf32>
    %add3A_486 = vector.broadcast %broadcast_in_dim3A_484 : vector<1x128xf32> to vector<2048x128xf32>
    %add3A_487 = arith.addf %add3A_485, %add3A_486 : vector<2048x128xf32>
    %slice3A_488 = vector.extract_strided_slice %dot_general3A_461 {offsets = [0, 256], sizes = [2048, 128], strides = [1, 1]} : vector<2048x2048xf32> to vector<2048x128xf32>
    %sub3A_489 = arith.subf %add3A_487, %slice3A_488 : vector<2048x128xf32>
    %lt3A_490 = arith.cmpf olt, %sub3A_489, %select_n3A_478 : vector<2048x128xf32>
    %select_n3A_491 = arith.select %lt3A_490, %sub3A_489, %select_n3A_478 : vector<2048x128xi1>, vector<2048x128xf32>
    %add3A_492 = arith.constant 256 : i32
    %add3A_493 = vector.broadcast %add3A_492 : i32 to vector<2048x128xi32>
    %add3A_494 = arith.addi %iota3A_462, %add3A_493 : vector<2048x128xi32>
    %select_n3A_495 = arith.select %lt3A_490, %add3A_494, %select_n3A_482 : vector<2048x128xi1>, vector<2048x128xi32>
    %slice3A_496 = vector.extract_strided_slice %get3A_459 {offsets = [384], sizes = [128], strides = [1]} : vector<2048xf32> to vector<128xf32>
    %broadcast_in_dim3A_497 = vector.shape_cast %slice3A_496 : vector<128xf32> to vector<1x128xf32>
    %add3A_498 = vector.broadcast %get3A_5 : vector<2048x1xf32> to vector<2048x128xf32>
    %add3A_499 = vector.broadcast %broadcast_in_dim3A_497 : vector<1x128xf32> to vector<2048x128xf32>
    %add3A_500 = arith.addf %add3A_498, %add3A_499 : vector<2048x128xf32>
    %slice3A_501 = vector.extract_strided_slice %dot_general3A_461 {offsets = [0, 384], sizes = [2048, 128], strides = [1, 1]} : vector<2048x2048xf32> to vector<2048x128xf32>
    %sub3A_502 = arith.subf %add3A_500, %slice3A_501 : vector<2048x128xf32>
    %lt3A_503 = arith.cmpf olt, %sub3A_502, %select_n3A_491 : vector<2048x128xf32>
    %select_n3A_504 = arith.select %lt3A_503, %sub3A_502, %select_n3A_491 : vector<2048x128xi1>, vector<2048x128xf32>
    %add3A_505 = arith.constant 384 : i32
    %add3A_506 = vector.broadcast %add3A_505 : i32 to vector<2048x128xi32>
    %add3A_507 = arith.addi %iota3A_462, %add3A_506 : vector<2048x128xi32>
    %select_n3A_508 = arith.select %lt3A_503, %add3A_507, %select_n3A_495 : vector<2048x128xi1>, vector<2048x128xi32>
    %slice3A_509 = vector.extract_strided_slice %get3A_459 {offsets = [512], sizes = [128], strides = [1]} : vector<2048xf32> to vector<128xf32>
    %broadcast_in_dim3A_510 = vector.shape_cast %slice3A_509 : vector<128xf32> to vector<1x128xf32>
    %add3A_511 = vector.broadcast %get3A_5 : vector<2048x1xf32> to vector<2048x128xf32>
    %add3A_512 = vector.broadcast %broadcast_in_dim3A_510 : vector<1x128xf32> to vector<2048x128xf32>
    %add3A_513 = arith.addf %add3A_511, %add3A_512 : vector<2048x128xf32>
    %slice3A_514 = vector.extract_strided_slice %dot_general3A_461 {offsets = [0, 512], sizes = [2048, 128], strides = [1, 1]} : vector<2048x2048xf32> to vector<2048x128xf32>
    %sub3A_515 = arith.subf %add3A_513, %slice3A_514 : vector<2048x128xf32>
    %lt3A_516 = arith.cmpf olt, %sub3A_515, %select_n3A_504 : vector<2048x128xf32>
    %select_n3A_517 = arith.select %lt3A_516, %sub3A_515, %select_n3A_504 : vector<2048x128xi1>, vector<2048x128xf32>
    %add3A_518 = arith.constant 512 : i32
    %add3A_519 = vector.broadcast %add3A_518 : i32 to vector<2048x128xi32>
    %add3A_520 = arith.addi %iota3A_462, %add3A_519 : vector<2048x128xi32>
    %select_n3A_521 = arith.select %lt3A_516, %add3A_520, %select_n3A_508 : vector<2048x128xi1>, vector<2048x128xi32>
    %slice3A_522 = vector.extract_strided_slice %get3A_459 {offsets = [640], sizes = [128], strides = [1]} : vector<2048xf32> to vector<128xf32>
    %broadcast_in_dim3A_523 = vector.shape_cast %slice3A_522 : vector<128xf32> to vector<1x128xf32>
    %add3A_524 = vector.broadcast %get3A_5 : vector<2048x1xf32> to vector<2048x128xf32>
    %add3A_525 = vector.broadcast %broadcast_in_dim3A_523 : vector<1x128xf32> to vector<2048x128xf32>
    %add3A_526 = arith.addf %add3A_524, %add3A_525 : vector<2048x128xf32>
    %slice3A_527 = vector.extract_strided_slice %dot_general3A_461 {offsets = [0, 640], sizes = [2048, 128], strides = [1, 1]} : vector<2048x2048xf32> to vector<2048x128xf32>
    %sub3A_528 = arith.subf %add3A_526, %slice3A_527 : vector<2048x128xf32>
    %lt3A_529 = arith.cmpf olt, %sub3A_528, %select_n3A_517 : vector<2048x128xf32>
    %select_n3A_530 = arith.select %lt3A_529, %sub3A_528, %select_n3A_517 : vector<2048x128xi1>, vector<2048x128xf32>
    %add3A_531 = arith.constant 640 : i32
    %add3A_532 = vector.broadcast %add3A_531 : i32 to vector<2048x128xi32>
    %add3A_533 = arith.addi %iota3A_462, %add3A_532 : vector<2048x128xi32>
    %select_n3A_534 = arith.select %lt3A_529, %add3A_533, %select_n3A_521 : vector<2048x128xi1>, vector<2048x128xi32>
    %slice3A_535 = vector.extract_strided_slice %get3A_459 {offsets = [768], sizes = [128], strides = [1]} : vector<2048xf32> to vector<128xf32>
    %broadcast_in_dim3A_536 = vector.shape_cast %slice3A_535 : vector<128xf32> to vector<1x128xf32>
    %add3A_537 = vector.broadcast %get3A_5 : vector<2048x1xf32> to vector<2048x128xf32>
    %add3A_538 = vector.broadcast %broadcast_in_dim3A_536 : vector<1x128xf32> to vector<2048x128xf32>
    %add3A_539 = arith.addf %add3A_537, %add3A_538 : vector<2048x128xf32>
    %slice3A_540 = vector.extract_strided_slice %dot_general3A_461 {offsets = [0, 768], sizes = [2048, 128], strides = [1, 1]} : vector<2048x2048xf32> to vector<2048x128xf32>
    %sub3A_541 = arith.subf %add3A_539, %slice3A_540 : vector<2048x128xf32>
    %lt3A_542 = arith.cmpf olt, %sub3A_541, %select_n3A_530 : vector<2048x128xf32>
    %select_n3A_543 = arith.select %lt3A_542, %sub3A_541, %select_n3A_530 : vector<2048x128xi1>, vector<2048x128xf32>
    %add3A_544 = arith.constant 768 : i32
    %add3A_545 = vector.broadcast %add3A_544 : i32 to vector<2048x128xi32>
    %add3A_546 = arith.addi %iota3A_462, %add3A_545 : vector<2048x128xi32>
    %select_n3A_547 = arith.select %lt3A_542, %add3A_546, %select_n3A_534 : vector<2048x128xi1>, vector<2048x128xi32>
    %slice3A_548 = vector.extract_strided_slice %get3A_459 {offsets = [896], sizes = [128], strides = [1]} : vector<2048xf32> to vector<128xf32>
    %broadcast_in_dim3A_549 = vector.shape_cast %slice3A_548 : vector<128xf32> to vector<1x128xf32>
    %add3A_550 = vector.broadcast %get3A_5 : vector<2048x1xf32> to vector<2048x128xf32>
    %add3A_551 = vector.broadcast %broadcast_in_dim3A_549 : vector<1x128xf32> to vector<2048x128xf32>
    %add3A_552 = arith.addf %add3A_550, %add3A_551 : vector<2048x128xf32>
    %slice3A_553 = vector.extract_strided_slice %dot_general3A_461 {offsets = [0, 896], sizes = [2048, 128], strides = [1, 1]} : vector<2048x2048xf32> to vector<2048x128xf32>
    %sub3A_554 = arith.subf %add3A_552, %slice3A_553 : vector<2048x128xf32>
    %lt3A_555 = arith.cmpf olt, %sub3A_554, %select_n3A_543 : vector<2048x128xf32>
    %select_n3A_556 = arith.select %lt3A_555, %sub3A_554, %select_n3A_543 : vector<2048x128xi1>, vector<2048x128xf32>
    %add3A_557 = arith.constant 896 : i32
    %add3A_558 = vector.broadcast %add3A_557 : i32 to vector<2048x128xi32>
    %add3A_559 = arith.addi %iota3A_462, %add3A_558 : vector<2048x128xi32>
    %select_n3A_560 = arith.select %lt3A_555, %add3A_559, %select_n3A_547 : vector<2048x128xi1>, vector<2048x128xi32>
    %slice3A_561 = vector.extract_strided_slice %get3A_459 {offsets = [1024], sizes = [128], strides = [1]} : vector<2048xf32> to vector<128xf32>
    %broadcast_in_dim3A_562 = vector.shape_cast %slice3A_561 : vector<128xf32> to vector<1x128xf32>
    %add3A_563 = vector.broadcast %get3A_5 : vector<2048x1xf32> to vector<2048x128xf32>
    %add3A_564 = vector.broadcast %broadcast_in_dim3A_562 : vector<1x128xf32> to vector<2048x128xf32>
    %add3A_565 = arith.addf %add3A_563, %add3A_564 : vector<2048x128xf32>
    %slice3A_566 = vector.extract_strided_slice %dot_general3A_461 {offsets = [0, 1024], sizes = [2048, 128], strides = [1, 1]} : vector<2048x2048xf32> to vector<2048x128xf32>
    %sub3A_567 = arith.subf %add3A_565, %slice3A_566 : vector<2048x128xf32>
    %lt3A_568 = arith.cmpf olt, %sub3A_567, %select_n3A_556 : vector<2048x128xf32>
    %select_n3A_569 = arith.select %lt3A_568, %sub3A_567, %select_n3A_556 : vector<2048x128xi1>, vector<2048x128xf32>
    %add3A_570 = arith.constant 1024 : i32
    %add3A_571 = vector.broadcast %add3A_570 : i32 to vector<2048x128xi32>
    %add3A_572 = arith.addi %iota3A_462, %add3A_571 : vector<2048x128xi32>
    %select_n3A_573 = arith.select %lt3A_568, %add3A_572, %select_n3A_560 : vector<2048x128xi1>, vector<2048x128xi32>
    %slice3A_574 = vector.extract_strided_slice %get3A_459 {offsets = [1152], sizes = [128], strides = [1]} : vector<2048xf32> to vector<128xf32>
    %broadcast_in_dim3A_575 = vector.shape_cast %slice3A_574 : vector<128xf32> to vector<1x128xf32>
    %add3A_576 = vector.broadcast %get3A_5 : vector<2048x1xf32> to vector<2048x128xf32>
    %add3A_577 = vector.broadcast %broadcast_in_dim3A_575 : vector<1x128xf32> to vector<2048x128xf32>
    %add3A_578 = arith.addf %add3A_576, %add3A_577 : vector<2048x128xf32>
    %slice3A_579 = vector.extract_strided_slice %dot_general3A_461 {offsets = [0, 1152], sizes = [2048, 128], strides = [1, 1]} : vector<2048x2048xf32> to vector<2048x128xf32>
    %sub3A_580 = arith.subf %add3A_578, %slice3A_579 : vector<2048x128xf32>
    %lt3A_581 = arith.cmpf olt, %sub3A_580, %select_n3A_569 : vector<2048x128xf32>
    %select_n3A_582 = arith.select %lt3A_581, %sub3A_580, %select_n3A_569 : vector<2048x128xi1>, vector<2048x128xf32>
    %add3A_583 = arith.constant 1152 : i32
    %add3A_584 = vector.broadcast %add3A_583 : i32 to vector<2048x128xi32>
    %add3A_585 = arith.addi %iota3A_462, %add3A_584 : vector<2048x128xi32>
    %select_n3A_586 = arith.select %lt3A_581, %add3A_585, %select_n3A_573 : vector<2048x128xi1>, vector<2048x128xi32>
    %slice3A_587 = vector.extract_strided_slice %get3A_459 {offsets = [1280], sizes = [128], strides = [1]} : vector<2048xf32> to vector<128xf32>
    %broadcast_in_dim3A_588 = vector.shape_cast %slice3A_587 : vector<128xf32> to vector<1x128xf32>
    %add3A_589 = vector.broadcast %get3A_5 : vector<2048x1xf32> to vector<2048x128xf32>
    %add3A_590 = vector.broadcast %broadcast_in_dim3A_588 : vector<1x128xf32> to vector<2048x128xf32>
    %add3A_591 = arith.addf %add3A_589, %add3A_590 : vector<2048x128xf32>
    %slice3A_592 = vector.extract_strided_slice %dot_general3A_461 {offsets = [0, 1280], sizes = [2048, 128], strides = [1, 1]} : vector<2048x2048xf32> to vector<2048x128xf32>
    %sub3A_593 = arith.subf %add3A_591, %slice3A_592 : vector<2048x128xf32>
    %lt3A_594 = arith.cmpf olt, %sub3A_593, %select_n3A_582 : vector<2048x128xf32>
    %select_n3A_595 = arith.select %lt3A_594, %sub3A_593, %select_n3A_582 : vector<2048x128xi1>, vector<2048x128xf32>
    %add3A_596 = arith.constant 1280 : i32
    %add3A_597 = vector.broadcast %add3A_596 : i32 to vector<2048x128xi32>
    %add3A_598 = arith.addi %iota3A_462, %add3A_597 : vector<2048x128xi32>
    %select_n3A_599 = arith.select %lt3A_594, %add3A_598, %select_n3A_586 : vector<2048x128xi1>, vector<2048x128xi32>
    %slice3A_600 = vector.extract_strided_slice %get3A_459 {offsets = [1408], sizes = [128], strides = [1]} : vector<2048xf32> to vector<128xf32>
    %broadcast_in_dim3A_601 = vector.shape_cast %slice3A_600 : vector<128xf32> to vector<1x128xf32>
    %add3A_602 = vector.broadcast %get3A_5 : vector<2048x1xf32> to vector<2048x128xf32>
    %add3A_603 = vector.broadcast %broadcast_in_dim3A_601 : vector<1x128xf32> to vector<2048x128xf32>
    %add3A_604 = arith.addf %add3A_602, %add3A_603 : vector<2048x128xf32>
    %slice3A_605 = vector.extract_strided_slice %dot_general3A_461 {offsets = [0, 1408], sizes = [2048, 128], strides = [1, 1]} : vector<2048x2048xf32> to vector<2048x128xf32>
    %sub3A_606 = arith.subf %add3A_604, %slice3A_605 : vector<2048x128xf32>
    %lt3A_607 = arith.cmpf olt, %sub3A_606, %select_n3A_595 : vector<2048x128xf32>
    %select_n3A_608 = arith.select %lt3A_607, %sub3A_606, %select_n3A_595 : vector<2048x128xi1>, vector<2048x128xf32>
    %add3A_609 = arith.constant 1408 : i32
    %add3A_610 = vector.broadcast %add3A_609 : i32 to vector<2048x128xi32>
    %add3A_611 = arith.addi %iota3A_462, %add3A_610 : vector<2048x128xi32>
    %select_n3A_612 = arith.select %lt3A_607, %add3A_611, %select_n3A_599 : vector<2048x128xi1>, vector<2048x128xi32>
    %slice3A_613 = vector.extract_strided_slice %get3A_459 {offsets = [1536], sizes = [128], strides = [1]} : vector<2048xf32> to vector<128xf32>
    %broadcast_in_dim3A_614 = vector.shape_cast %slice3A_613 : vector<128xf32> to vector<1x128xf32>
    %add3A_615 = vector.broadcast %get3A_5 : vector<2048x1xf32> to vector<2048x128xf32>
    %add3A_616 = vector.broadcast %broadcast_in_dim3A_614 : vector<1x128xf32> to vector<2048x128xf32>
    %add3A_617 = arith.addf %add3A_615, %add3A_616 : vector<2048x128xf32>
    %slice3A_618 = vector.extract_strided_slice %dot_general3A_461 {offsets = [0, 1536], sizes = [2048, 128], strides = [1, 1]} : vector<2048x2048xf32> to vector<2048x128xf32>
    %sub3A_619 = arith.subf %add3A_617, %slice3A_618 : vector<2048x128xf32>
    %lt3A_620 = arith.cmpf olt, %sub3A_619, %select_n3A_608 : vector<2048x128xf32>
    %select_n3A_621 = arith.select %lt3A_620, %sub3A_619, %select_n3A_608 : vector<2048x128xi1>, vector<2048x128xf32>
    %add3A_622 = arith.constant 1536 : i32
    %add3A_623 = vector.broadcast %add3A_622 : i32 to vector<2048x128xi32>
    %add3A_624 = arith.addi %iota3A_462, %add3A_623 : vector<2048x128xi32>
    %select_n3A_625 = arith.select %lt3A_620, %add3A_624, %select_n3A_612 : vector<2048x128xi1>, vector<2048x128xi32>
    %slice3A_626 = vector.extract_strided_slice %get3A_459 {offsets = [1664], sizes = [128], strides = [1]} : vector<2048xf32> to vector<128xf32>
    %broadcast_in_dim3A_627 = vector.shape_cast %slice3A_626 : vector<128xf32> to vector<1x128xf32>
    %add3A_628 = vector.broadcast %get3A_5 : vector<2048x1xf32> to vector<2048x128xf32>
    %add3A_629 = vector.broadcast %broadcast_in_dim3A_627 : vector<1x128xf32> to vector<2048x128xf32>
    %add3A_630 = arith.addf %add3A_628, %add3A_629 : vector<2048x128xf32>
    %slice3A_631 = vector.extract_strided_slice %dot_general3A_461 {offsets = [0, 1664], sizes = [2048, 128], strides = [1, 1]} : vector<2048x2048xf32> to vector<2048x128xf32>
    %sub3A_632 = arith.subf %add3A_630, %slice3A_631 : vector<2048x128xf32>
    %lt3A_633 = arith.cmpf olt, %sub3A_632, %select_n3A_621 : vector<2048x128xf32>
    %select_n3A_634 = arith.select %lt3A_633, %sub3A_632, %select_n3A_621 : vector<2048x128xi1>, vector<2048x128xf32>
    %add3A_635 = arith.constant 1664 : i32
    %add3A_636 = vector.broadcast %add3A_635 : i32 to vector<2048x128xi32>
    %add3A_637 = arith.addi %iota3A_462, %add3A_636 : vector<2048x128xi32>
    %select_n3A_638 = arith.select %lt3A_633, %add3A_637, %select_n3A_625 : vector<2048x128xi1>, vector<2048x128xi32>
    %slice3A_639 = vector.extract_strided_slice %get3A_459 {offsets = [1792], sizes = [128], strides = [1]} : vector<2048xf32> to vector<128xf32>
    %broadcast_in_dim3A_640 = vector.shape_cast %slice3A_639 : vector<128xf32> to vector<1x128xf32>
    %add3A_641 = vector.broadcast %get3A_5 : vector<2048x1xf32> to vector<2048x128xf32>
    %add3A_642 = vector.broadcast %broadcast_in_dim3A_640 : vector<1x128xf32> to vector<2048x128xf32>
    %add3A_643 = arith.addf %add3A_641, %add3A_642 : vector<2048x128xf32>
    %slice3A_644 = vector.extract_strided_slice %dot_general3A_461 {offsets = [0, 1792], sizes = [2048, 128], strides = [1, 1]} : vector<2048x2048xf32> to vector<2048x128xf32>
    %sub3A_645 = arith.subf %add3A_643, %slice3A_644 : vector<2048x128xf32>
    %lt3A_646 = arith.cmpf olt, %sub3A_645, %select_n3A_634 : vector<2048x128xf32>
    %select_n3A_647 = arith.select %lt3A_646, %sub3A_645, %select_n3A_634 : vector<2048x128xi1>, vector<2048x128xf32>
    %add3A_648 = arith.constant 1792 : i32
    %add3A_649 = vector.broadcast %add3A_648 : i32 to vector<2048x128xi32>
    %add3A_650 = arith.addi %iota3A_462, %add3A_649 : vector<2048x128xi32>
    %select_n3A_651 = arith.select %lt3A_646, %add3A_650, %select_n3A_638 : vector<2048x128xi1>, vector<2048x128xi32>
    %slice3A_652 = vector.extract_strided_slice %get3A_459 {offsets = [1920], sizes = [128], strides = [1]} : vector<2048xf32> to vector<128xf32>
    %broadcast_in_dim3A_653 = vector.shape_cast %slice3A_652 : vector<128xf32> to vector<1x128xf32>
    %add3A_654 = vector.broadcast %get3A_5 : vector<2048x1xf32> to vector<2048x128xf32>
    %add3A_655 = vector.broadcast %broadcast_in_dim3A_653 : vector<1x128xf32> to vector<2048x128xf32>
    %add3A_656 = arith.addf %add3A_654, %add3A_655 : vector<2048x128xf32>
    %slice3A_657 = vector.extract_strided_slice %dot_general3A_461 {offsets = [0, 1920], sizes = [2048, 128], strides = [1, 1]} : vector<2048x2048xf32> to vector<2048x128xf32>
    %sub3A_658 = arith.subf %add3A_656, %slice3A_657 : vector<2048x128xf32>
    %lt3A_659 = arith.cmpf olt, %sub3A_658, %select_n3A_647 : vector<2048x128xf32>
    %select_n3A_660 = arith.select %lt3A_659, %sub3A_658, %select_n3A_647 : vector<2048x128xi1>, vector<2048x128xf32>
    %add3A_661 = arith.constant 1920 : i32
    %add3A_662 = vector.broadcast %add3A_661 : i32 to vector<2048x128xi32>
    %add3A_663 = arith.addi %iota3A_462, %add3A_662 : vector<2048x128xi32>
    %select_n3A_664 = arith.select %lt3A_659, %add3A_663, %select_n3A_651 : vector<2048x128xi1>, vector<2048x128xi32>
    %reduce_min3A_665 = arith.constant dense<0x7F800000> : vector<2048xf32>
    %reduce_min3A_666 = vector.multi_reduction <minimumf>, %select_n3A_660, %reduce_min3A_665 [1] : vector<2048x128xf32> to vector<2048xf32>
    %broadcast_in_dim3A_667 = vector.shape_cast %reduce_min3A_666 : vector<2048xf32> to vector<2048x1xf32>
    %eq3A_668 = vector.broadcast %broadcast_in_dim3A_667 : vector<2048x1xf32> to vector<2048x128xf32>
    %eq3A_669 = arith.cmpf oeq, %select_n3A_660, %eq3A_668 : vector<2048x128xf32>
    %jit3A_670 = arith.constant 8192 : i32
    %broadcast_in_dim3A_671 = vector.broadcast %jit3A_670 : i32 to vector<2048x128xi32>
    %select_n3A_672 = arith.select %eq3A_669, %select_n3A_664, %broadcast_in_dim3A_671 : vector<2048x128xi1>, vector<2048x128xi32>
    %reduce_min3A_673 = arith.constant dense<2147483647> : vector<2048xi32>
    %reduce_min3A_674 = vector.multi_reduction <minsi>, %select_n3A_672, %reduce_min3A_673 [1] : vector<2048x128xi32> to vector<2048xi32>
    %add3A_675 = arith.constant 4096 : i32
    %add3A_676 = vector.broadcast %add3A_675 : i32 to vector<2048xi32>
    %add3A_677 = arith.addi %reduce_min3A_674, %add3A_676 : vector<2048xi32>
    %lt3A_678 = arith.cmpf olt, %reduce_min3A_666, %select_n3A_450 : vector<2048xf32>
    %convert_element_type3A_679 = arith.truncf %reduce_min3A_666 : vector<2048xf32> to vector<2048xbf16>
    %convert_element_type3A_680 = arith.extf %convert_element_type3A_679 : vector<2048xbf16> to vector<2048xf32>
    %select_n3A_681 = arith.select %lt3A_678, %convert_element_type3A_680, %select_n3A_450 : vector<2048xi1>, vector<2048xf32>
    %select_n3A_682 = arith.select %lt3A_678, %add3A_677, %select_n3A_451 : vector<2048xi1>, vector<2048xi32>
    %select_n3A_683 = arith.select %lt3A_678, %reduce_min3A_666, %select_n3A_452 : vector<2048xi1>, vector<2048xf32>
    %get3A_684 = arith.constant 0 : index
    %get3A_685 = arith.constant 6144 : index
    %get3A_686 = vector.load %arg3[%get3A_684, %get3A_685] : memref<32x8192xf32, #tpu.memory_space<vmem>>, vector<32x2048xf32>
    %get3A_687 = arith.constant 0 : index
    %get3A_688 = arith.constant 6144 : index
    %get3A_689 = vector.load %arg4[%get3A_687, %get3A_688] : memref<1x8192xf32, #tpu.memory_space<vmem>>, vector<1x2048xf32>
    %get3A_690 = vector.shape_cast %get3A_689 : vector<1x2048xf32> to vector<2048xf32>
    %dot_general3A_691 = arith.constant dense<0.000000e+00> : vector<2048x2048xf32>
    %dot_general3A_692 = tpu.matmul %convert_element_type3A_2, %get3A_686, %dot_general3A_691 {dimension_numbers = #tpu.dot_dimension_numbers<[1], [0], [0], [1], [0, 0, 1, 1], [], []>, transpose_lhs_hint = false} : vector<2048x32xf32>, vector<32x2048xf32>, vector<2048x2048xf32> -> vector<2048x2048xf32>
    %iota3A_693 = tpu.iota {dimensions = array<i32: 1>} : vector<2048x128xi32>
    %slice3A_694 = vector.extract_strided_slice %get3A_690 {offsets = [0], sizes = [128], strides = [1]} : vector<2048xf32> to vector<128xf32>
    %broadcast_in_dim3A_695 = vector.shape_cast %slice3A_694 : vector<128xf32> to vector<1x128xf32>
    %add3A_696 = vector.broadcast %get3A_5 : vector<2048x1xf32> to vector<2048x128xf32>
    %add3A_697 = vector.broadcast %broadcast_in_dim3A_695 : vector<1x128xf32> to vector<2048x128xf32>
    %add3A_698 = arith.addf %add3A_696, %add3A_697 : vector<2048x128xf32>
    %slice3A_699 = vector.extract_strided_slice %dot_general3A_692 {offsets = [0, 0], sizes = [2048, 128], strides = [1, 1]} : vector<2048x2048xf32> to vector<2048x128xf32>
    %sub3A_700 = arith.subf %add3A_698, %slice3A_699 : vector<2048x128xf32>
    %slice3A_701 = vector.extract_strided_slice %get3A_690 {offsets = [128], sizes = [128], strides = [1]} : vector<2048xf32> to vector<128xf32>
    %broadcast_in_dim3A_702 = vector.shape_cast %slice3A_701 : vector<128xf32> to vector<1x128xf32>
    %add3A_703 = vector.broadcast %get3A_5 : vector<2048x1xf32> to vector<2048x128xf32>
    %add3A_704 = vector.broadcast %broadcast_in_dim3A_702 : vector<1x128xf32> to vector<2048x128xf32>
    %add3A_705 = arith.addf %add3A_703, %add3A_704 : vector<2048x128xf32>
    %slice3A_706 = vector.extract_strided_slice %dot_general3A_692 {offsets = [0, 128], sizes = [2048, 128], strides = [1, 1]} : vector<2048x2048xf32> to vector<2048x128xf32>
    %sub3A_707 = arith.subf %add3A_705, %slice3A_706 : vector<2048x128xf32>
    %lt3A_708 = arith.cmpf olt, %sub3A_707, %sub3A_700 : vector<2048x128xf32>
    %select_n3A_709 = arith.select %lt3A_708, %sub3A_707, %sub3A_700 : vector<2048x128xi1>, vector<2048x128xf32>
    %add3A_710 = arith.constant 128 : i32
    %add3A_711 = vector.broadcast %add3A_710 : i32 to vector<2048x128xi32>
    %add3A_712 = arith.addi %iota3A_693, %add3A_711 : vector<2048x128xi32>
    %select_n3A_713 = arith.select %lt3A_708, %add3A_712, %iota3A_693 : vector<2048x128xi1>, vector<2048x128xi32>
    %slice3A_714 = vector.extract_strided_slice %get3A_690 {offsets = [256], sizes = [128], strides = [1]} : vector<2048xf32> to vector<128xf32>
    %broadcast_in_dim3A_715 = vector.shape_cast %slice3A_714 : vector<128xf32> to vector<1x128xf32>
    %add3A_716 = vector.broadcast %get3A_5 : vector<2048x1xf32> to vector<2048x128xf32>
    %add3A_717 = vector.broadcast %broadcast_in_dim3A_715 : vector<1x128xf32> to vector<2048x128xf32>
    %add3A_718 = arith.addf %add3A_716, %add3A_717 : vector<2048x128xf32>
    %slice3A_719 = vector.extract_strided_slice %dot_general3A_692 {offsets = [0, 256], sizes = [2048, 128], strides = [1, 1]} : vector<2048x2048xf32> to vector<2048x128xf32>
    %sub3A_720 = arith.subf %add3A_718, %slice3A_719 : vector<2048x128xf32>
    %lt3A_721 = arith.cmpf olt, %sub3A_720, %select_n3A_709 : vector<2048x128xf32>
    %select_n3A_722 = arith.select %lt3A_721, %sub3A_720, %select_n3A_709 : vector<2048x128xi1>, vector<2048x128xf32>
    %add3A_723 = arith.constant 256 : i32
    %add3A_724 = vector.broadcast %add3A_723 : i32 to vector<2048x128xi32>
    %add3A_725 = arith.addi %iota3A_693, %add3A_724 : vector<2048x128xi32>
    %select_n3A_726 = arith.select %lt3A_721, %add3A_725, %select_n3A_713 : vector<2048x128xi1>, vector<2048x128xi32>
    %slice3A_727 = vector.extract_strided_slice %get3A_690 {offsets = [384], sizes = [128], strides = [1]} : vector<2048xf32> to vector<128xf32>
    %broadcast_in_dim3A_728 = vector.shape_cast %slice3A_727 : vector<128xf32> to vector<1x128xf32>
    %add3A_729 = vector.broadcast %get3A_5 : vector<2048x1xf32> to vector<2048x128xf32>
    %add3A_730 = vector.broadcast %broadcast_in_dim3A_728 : vector<1x128xf32> to vector<2048x128xf32>
    %add3A_731 = arith.addf %add3A_729, %add3A_730 : vector<2048x128xf32>
    %slice3A_732 = vector.extract_strided_slice %dot_general3A_692 {offsets = [0, 384], sizes = [2048, 128], strides = [1, 1]} : vector<2048x2048xf32> to vector<2048x128xf32>
    %sub3A_733 = arith.subf %add3A_731, %slice3A_732 : vector<2048x128xf32>
    %lt3A_734 = arith.cmpf olt, %sub3A_733, %select_n3A_722 : vector<2048x128xf32>
    %select_n3A_735 = arith.select %lt3A_734, %sub3A_733, %select_n3A_722 : vector<2048x128xi1>, vector<2048x128xf32>
    %add3A_736 = arith.constant 384 : i32
    %add3A_737 = vector.broadcast %add3A_736 : i32 to vector<2048x128xi32>
    %add3A_738 = arith.addi %iota3A_693, %add3A_737 : vector<2048x128xi32>
    %select_n3A_739 = arith.select %lt3A_734, %add3A_738, %select_n3A_726 : vector<2048x128xi1>, vector<2048x128xi32>
    %slice3A_740 = vector.extract_strided_slice %get3A_690 {offsets = [512], sizes = [128], strides = [1]} : vector<2048xf32> to vector<128xf32>
    %broadcast_in_dim3A_741 = vector.shape_cast %slice3A_740 : vector<128xf32> to vector<1x128xf32>
    %add3A_742 = vector.broadcast %get3A_5 : vector<2048x1xf32> to vector<2048x128xf32>
    %add3A_743 = vector.broadcast %broadcast_in_dim3A_741 : vector<1x128xf32> to vector<2048x128xf32>
    %add3A_744 = arith.addf %add3A_742, %add3A_743 : vector<2048x128xf32>
    %slice3A_745 = vector.extract_strided_slice %dot_general3A_692 {offsets = [0, 512], sizes = [2048, 128], strides = [1, 1]} : vector<2048x2048xf32> to vector<2048x128xf32>
    %sub3A_746 = arith.subf %add3A_744, %slice3A_745 : vector<2048x128xf32>
    %lt3A_747 = arith.cmpf olt, %sub3A_746, %select_n3A_735 : vector<2048x128xf32>
    %select_n3A_748 = arith.select %lt3A_747, %sub3A_746, %select_n3A_735 : vector<2048x128xi1>, vector<2048x128xf32>
    %add3A_749 = arith.constant 512 : i32
    %add3A_750 = vector.broadcast %add3A_749 : i32 to vector<2048x128xi32>
    %add3A_751 = arith.addi %iota3A_693, %add3A_750 : vector<2048x128xi32>
    %select_n3A_752 = arith.select %lt3A_747, %add3A_751, %select_n3A_739 : vector<2048x128xi1>, vector<2048x128xi32>
    %slice3A_753 = vector.extract_strided_slice %get3A_690 {offsets = [640], sizes = [128], strides = [1]} : vector<2048xf32> to vector<128xf32>
    %broadcast_in_dim3A_754 = vector.shape_cast %slice3A_753 : vector<128xf32> to vector<1x128xf32>
    %add3A_755 = vector.broadcast %get3A_5 : vector<2048x1xf32> to vector<2048x128xf32>
    %add3A_756 = vector.broadcast %broadcast_in_dim3A_754 : vector<1x128xf32> to vector<2048x128xf32>
    %add3A_757 = arith.addf %add3A_755, %add3A_756 : vector<2048x128xf32>
    %slice3A_758 = vector.extract_strided_slice %dot_general3A_692 {offsets = [0, 640], sizes = [2048, 128], strides = [1, 1]} : vector<2048x2048xf32> to vector<2048x128xf32>
    %sub3A_759 = arith.subf %add3A_757, %slice3A_758 : vector<2048x128xf32>
    %lt3A_760 = arith.cmpf olt, %sub3A_759, %select_n3A_748 : vector<2048x128xf32>
    %select_n3A_761 = arith.select %lt3A_760, %sub3A_759, %select_n3A_748 : vector<2048x128xi1>, vector<2048x128xf32>
    %add3A_762 = arith.constant 640 : i32
    %add3A_763 = vector.broadcast %add3A_762 : i32 to vector<2048x128xi32>
    %add3A_764 = arith.addi %iota3A_693, %add3A_763 : vector<2048x128xi32>
    %select_n3A_765 = arith.select %lt3A_760, %add3A_764, %select_n3A_752 : vector<2048x128xi1>, vector<2048x128xi32>
    %slice3A_766 = vector.extract_strided_slice %get3A_690 {offsets = [768], sizes = [128], strides = [1]} : vector<2048xf32> to vector<128xf32>
    %broadcast_in_dim3A_767 = vector.shape_cast %slice3A_766 : vector<128xf32> to vector<1x128xf32>
    %add3A_768 = vector.broadcast %get3A_5 : vector<2048x1xf32> to vector<2048x128xf32>
    %add3A_769 = vector.broadcast %broadcast_in_dim3A_767 : vector<1x128xf32> to vector<2048x128xf32>
    %add3A_770 = arith.addf %add3A_768, %add3A_769 : vector<2048x128xf32>
    %slice3A_771 = vector.extract_strided_slice %dot_general3A_692 {offsets = [0, 768], sizes = [2048, 128], strides = [1, 1]} : vector<2048x2048xf32> to vector<2048x128xf32>
    %sub3A_772 = arith.subf %add3A_770, %slice3A_771 : vector<2048x128xf32>
    %lt3A_773 = arith.cmpf olt, %sub3A_772, %select_n3A_761 : vector<2048x128xf32>
    %select_n3A_774 = arith.select %lt3A_773, %sub3A_772, %select_n3A_761 : vector<2048x128xi1>, vector<2048x128xf32>
    %add3A_775 = arith.constant 768 : i32
    %add3A_776 = vector.broadcast %add3A_775 : i32 to vector<2048x128xi32>
    %add3A_777 = arith.addi %iota3A_693, %add3A_776 : vector<2048x128xi32>
    %select_n3A_778 = arith.select %lt3A_773, %add3A_777, %select_n3A_765 : vector<2048x128xi1>, vector<2048x128xi32>
    %slice3A_779 = vector.extract_strided_slice %get3A_690 {offsets = [896], sizes = [128], strides = [1]} : vector<2048xf32> to vector<128xf32>
    %broadcast_in_dim3A_780 = vector.shape_cast %slice3A_779 : vector<128xf32> to vector<1x128xf32>
    %add3A_781 = vector.broadcast %get3A_5 : vector<2048x1xf32> to vector<2048x128xf32>
    %add3A_782 = vector.broadcast %broadcast_in_dim3A_780 : vector<1x128xf32> to vector<2048x128xf32>
    %add3A_783 = arith.addf %add3A_781, %add3A_782 : vector<2048x128xf32>
    %slice3A_784 = vector.extract_strided_slice %dot_general3A_692 {offsets = [0, 896], sizes = [2048, 128], strides = [1, 1]} : vector<2048x2048xf32> to vector<2048x128xf32>
    %sub3A_785 = arith.subf %add3A_783, %slice3A_784 : vector<2048x128xf32>
    %lt3A_786 = arith.cmpf olt, %sub3A_785, %select_n3A_774 : vector<2048x128xf32>
    %select_n3A_787 = arith.select %lt3A_786, %sub3A_785, %select_n3A_774 : vector<2048x128xi1>, vector<2048x128xf32>
    %add3A_788 = arith.constant 896 : i32
    %add3A_789 = vector.broadcast %add3A_788 : i32 to vector<2048x128xi32>
    %add3A_790 = arith.addi %iota3A_693, %add3A_789 : vector<2048x128xi32>
    %select_n3A_791 = arith.select %lt3A_786, %add3A_790, %select_n3A_778 : vector<2048x128xi1>, vector<2048x128xi32>
    %slice3A_792 = vector.extract_strided_slice %get3A_690 {offsets = [1024], sizes = [128], strides = [1]} : vector<2048xf32> to vector<128xf32>
    %broadcast_in_dim3A_793 = vector.shape_cast %slice3A_792 : vector<128xf32> to vector<1x128xf32>
    %add3A_794 = vector.broadcast %get3A_5 : vector<2048x1xf32> to vector<2048x128xf32>
    %add3A_795 = vector.broadcast %broadcast_in_dim3A_793 : vector<1x128xf32> to vector<2048x128xf32>
    %add3A_796 = arith.addf %add3A_794, %add3A_795 : vector<2048x128xf32>
    %slice3A_797 = vector.extract_strided_slice %dot_general3A_692 {offsets = [0, 1024], sizes = [2048, 128], strides = [1, 1]} : vector<2048x2048xf32> to vector<2048x128xf32>
    %sub3A_798 = arith.subf %add3A_796, %slice3A_797 : vector<2048x128xf32>
    %lt3A_799 = arith.cmpf olt, %sub3A_798, %select_n3A_787 : vector<2048x128xf32>
    %select_n3A_800 = arith.select %lt3A_799, %sub3A_798, %select_n3A_787 : vector<2048x128xi1>, vector<2048x128xf32>
    %add3A_801 = arith.constant 1024 : i32
    %add3A_802 = vector.broadcast %add3A_801 : i32 to vector<2048x128xi32>
    %add3A_803 = arith.addi %iota3A_693, %add3A_802 : vector<2048x128xi32>
    %select_n3A_804 = arith.select %lt3A_799, %add3A_803, %select_n3A_791 : vector<2048x128xi1>, vector<2048x128xi32>
    %slice3A_805 = vector.extract_strided_slice %get3A_690 {offsets = [1152], sizes = [128], strides = [1]} : vector<2048xf32> to vector<128xf32>
    %broadcast_in_dim3A_806 = vector.shape_cast %slice3A_805 : vector<128xf32> to vector<1x128xf32>
    %add3A_807 = vector.broadcast %get3A_5 : vector<2048x1xf32> to vector<2048x128xf32>
    %add3A_808 = vector.broadcast %broadcast_in_dim3A_806 : vector<1x128xf32> to vector<2048x128xf32>
    %add3A_809 = arith.addf %add3A_807, %add3A_808 : vector<2048x128xf32>
    %slice3A_810 = vector.extract_strided_slice %dot_general3A_692 {offsets = [0, 1152], sizes = [2048, 128], strides = [1, 1]} : vector<2048x2048xf32> to vector<2048x128xf32>
    %sub3A_811 = arith.subf %add3A_809, %slice3A_810 : vector<2048x128xf32>
    %lt3A_812 = arith.cmpf olt, %sub3A_811, %select_n3A_800 : vector<2048x128xf32>
    %select_n3A_813 = arith.select %lt3A_812, %sub3A_811, %select_n3A_800 : vector<2048x128xi1>, vector<2048x128xf32>
    %add3A_814 = arith.constant 1152 : i32
    %add3A_815 = vector.broadcast %add3A_814 : i32 to vector<2048x128xi32>
    %add3A_816 = arith.addi %iota3A_693, %add3A_815 : vector<2048x128xi32>
    %select_n3A_817 = arith.select %lt3A_812, %add3A_816, %select_n3A_804 : vector<2048x128xi1>, vector<2048x128xi32>
    %slice3A_818 = vector.extract_strided_slice %get3A_690 {offsets = [1280], sizes = [128], strides = [1]} : vector<2048xf32> to vector<128xf32>
    %broadcast_in_dim3A_819 = vector.shape_cast %slice3A_818 : vector<128xf32> to vector<1x128xf32>
    %add3A_820 = vector.broadcast %get3A_5 : vector<2048x1xf32> to vector<2048x128xf32>
    %add3A_821 = vector.broadcast %broadcast_in_dim3A_819 : vector<1x128xf32> to vector<2048x128xf32>
    %add3A_822 = arith.addf %add3A_820, %add3A_821 : vector<2048x128xf32>
    %slice3A_823 = vector.extract_strided_slice %dot_general3A_692 {offsets = [0, 1280], sizes = [2048, 128], strides = [1, 1]} : vector<2048x2048xf32> to vector<2048x128xf32>
    %sub3A_824 = arith.subf %add3A_822, %slice3A_823 : vector<2048x128xf32>
    %lt3A_825 = arith.cmpf olt, %sub3A_824, %select_n3A_813 : vector<2048x128xf32>
    %select_n3A_826 = arith.select %lt3A_825, %sub3A_824, %select_n3A_813 : vector<2048x128xi1>, vector<2048x128xf32>
    %add3A_827 = arith.constant 1280 : i32
    %add3A_828 = vector.broadcast %add3A_827 : i32 to vector<2048x128xi32>
    %add3A_829 = arith.addi %iota3A_693, %add3A_828 : vector<2048x128xi32>
    %select_n3A_830 = arith.select %lt3A_825, %add3A_829, %select_n3A_817 : vector<2048x128xi1>, vector<2048x128xi32>
    %slice3A_831 = vector.extract_strided_slice %get3A_690 {offsets = [1408], sizes = [128], strides = [1]} : vector<2048xf32> to vector<128xf32>
    %broadcast_in_dim3A_832 = vector.shape_cast %slice3A_831 : vector<128xf32> to vector<1x128xf32>
    %add3A_833 = vector.broadcast %get3A_5 : vector<2048x1xf32> to vector<2048x128xf32>
    %add3A_834 = vector.broadcast %broadcast_in_dim3A_832 : vector<1x128xf32> to vector<2048x128xf32>
    %add3A_835 = arith.addf %add3A_833, %add3A_834 : vector<2048x128xf32>
    %slice3A_836 = vector.extract_strided_slice %dot_general3A_692 {offsets = [0, 1408], sizes = [2048, 128], strides = [1, 1]} : vector<2048x2048xf32> to vector<2048x128xf32>
    %sub3A_837 = arith.subf %add3A_835, %slice3A_836 : vector<2048x128xf32>
    %lt3A_838 = arith.cmpf olt, %sub3A_837, %select_n3A_826 : vector<2048x128xf32>
    %select_n3A_839 = arith.select %lt3A_838, %sub3A_837, %select_n3A_826 : vector<2048x128xi1>, vector<2048x128xf32>
    %add3A_840 = arith.constant 1408 : i32
    %add3A_841 = vector.broadcast %add3A_840 : i32 to vector<2048x128xi32>
    %add3A_842 = arith.addi %iota3A_693, %add3A_841 : vector<2048x128xi32>
    %select_n3A_843 = arith.select %lt3A_838, %add3A_842, %select_n3A_830 : vector<2048x128xi1>, vector<2048x128xi32>
    %slice3A_844 = vector.extract_strided_slice %get3A_690 {offsets = [1536], sizes = [128], strides = [1]} : vector<2048xf32> to vector<128xf32>
    %broadcast_in_dim3A_845 = vector.shape_cast %slice3A_844 : vector<128xf32> to vector<1x128xf32>
    %add3A_846 = vector.broadcast %get3A_5 : vector<2048x1xf32> to vector<2048x128xf32>
    %add3A_847 = vector.broadcast %broadcast_in_dim3A_845 : vector<1x128xf32> to vector<2048x128xf32>
    %add3A_848 = arith.addf %add3A_846, %add3A_847 : vector<2048x128xf32>
    %slice3A_849 = vector.extract_strided_slice %dot_general3A_692 {offsets = [0, 1536], sizes = [2048, 128], strides = [1, 1]} : vector<2048x2048xf32> to vector<2048x128xf32>
    %sub3A_850 = arith.subf %add3A_848, %slice3A_849 : vector<2048x128xf32>
    %lt3A_851 = arith.cmpf olt, %sub3A_850, %select_n3A_839 : vector<2048x128xf32>
    %select_n3A_852 = arith.select %lt3A_851, %sub3A_850, %select_n3A_839 : vector<2048x128xi1>, vector<2048x128xf32>
    %add3A_853 = arith.constant 1536 : i32
    %add3A_854 = vector.broadcast %add3A_853 : i32 to vector<2048x128xi32>
    %add3A_855 = arith.addi %iota3A_693, %add3A_854 : vector<2048x128xi32>
    %select_n3A_856 = arith.select %lt3A_851, %add3A_855, %select_n3A_843 : vector<2048x128xi1>, vector<2048x128xi32>
    %slice3A_857 = vector.extract_strided_slice %get3A_690 {offsets = [1664], sizes = [128], strides = [1]} : vector<2048xf32> to vector<128xf32>
    %broadcast_in_dim3A_858 = vector.shape_cast %slice3A_857 : vector<128xf32> to vector<1x128xf32>
    %add3A_859 = vector.broadcast %get3A_5 : vector<2048x1xf32> to vector<2048x128xf32>
    %add3A_860 = vector.broadcast %broadcast_in_dim3A_858 : vector<1x128xf32> to vector<2048x128xf32>
    %add3A_861 = arith.addf %add3A_859, %add3A_860 : vector<2048x128xf32>
    %slice3A_862 = vector.extract_strided_slice %dot_general3A_692 {offsets = [0, 1664], sizes = [2048, 128], strides = [1, 1]} : vector<2048x2048xf32> to vector<2048x128xf32>
    %sub3A_863 = arith.subf %add3A_861, %slice3A_862 : vector<2048x128xf32>
    %lt3A_864 = arith.cmpf olt, %sub3A_863, %select_n3A_852 : vector<2048x128xf32>
    %select_n3A_865 = arith.select %lt3A_864, %sub3A_863, %select_n3A_852 : vector<2048x128xi1>, vector<2048x128xf32>
    %add3A_866 = arith.constant 1664 : i32
    %add3A_867 = vector.broadcast %add3A_866 : i32 to vector<2048x128xi32>
    %add3A_868 = arith.addi %iota3A_693, %add3A_867 : vector<2048x128xi32>
    %select_n3A_869 = arith.select %lt3A_864, %add3A_868, %select_n3A_856 : vector<2048x128xi1>, vector<2048x128xi32>
    %slice3A_870 = vector.extract_strided_slice %get3A_690 {offsets = [1792], sizes = [128], strides = [1]} : vector<2048xf32> to vector<128xf32>
    %broadcast_in_dim3A_871 = vector.shape_cast %slice3A_870 : vector<128xf32> to vector<1x128xf32>
    %add3A_872 = vector.broadcast %get3A_5 : vector<2048x1xf32> to vector<2048x128xf32>
    %add3A_873 = vector.broadcast %broadcast_in_dim3A_871 : vector<1x128xf32> to vector<2048x128xf32>
    %add3A_874 = arith.addf %add3A_872, %add3A_873 : vector<2048x128xf32>
    %slice3A_875 = vector.extract_strided_slice %dot_general3A_692 {offsets = [0, 1792], sizes = [2048, 128], strides = [1, 1]} : vector<2048x2048xf32> to vector<2048x128xf32>
    %sub3A_876 = arith.subf %add3A_874, %slice3A_875 : vector<2048x128xf32>
    %lt3A_877 = arith.cmpf olt, %sub3A_876, %select_n3A_865 : vector<2048x128xf32>
    %select_n3A_878 = arith.select %lt3A_877, %sub3A_876, %select_n3A_865 : vector<2048x128xi1>, vector<2048x128xf32>
    %add3A_879 = arith.constant 1792 : i32
    %add3A_880 = vector.broadcast %add3A_879 : i32 to vector<2048x128xi32>
    %add3A_881 = arith.addi %iota3A_693, %add3A_880 : vector<2048x128xi32>
    %select_n3A_882 = arith.select %lt3A_877, %add3A_881, %select_n3A_869 : vector<2048x128xi1>, vector<2048x128xi32>
    %slice3A_883 = vector.extract_strided_slice %get3A_690 {offsets = [1920], sizes = [128], strides = [1]} : vector<2048xf32> to vector<128xf32>
    %broadcast_in_dim3A_884 = vector.shape_cast %slice3A_883 : vector<128xf32> to vector<1x128xf32>
    %add3A_885 = vector.broadcast %get3A_5 : vector<2048x1xf32> to vector<2048x128xf32>
    %add3A_886 = vector.broadcast %broadcast_in_dim3A_884 : vector<1x128xf32> to vector<2048x128xf32>
    %add3A_887 = arith.addf %add3A_885, %add3A_886 : vector<2048x128xf32>
    %slice3A_888 = vector.extract_strided_slice %dot_general3A_692 {offsets = [0, 1920], sizes = [2048, 128], strides = [1, 1]} : vector<2048x2048xf32> to vector<2048x128xf32>
    %sub3A_889 = arith.subf %add3A_887, %slice3A_888 : vector<2048x128xf32>
    %lt3A_890 = arith.cmpf olt, %sub3A_889, %select_n3A_878 : vector<2048x128xf32>
    %select_n3A_891 = arith.select %lt3A_890, %sub3A_889, %select_n3A_878 : vector<2048x128xi1>, vector<2048x128xf32>
    %add3A_892 = arith.constant 1920 : i32
    %add3A_893 = vector.broadcast %add3A_892 : i32 to vector<2048x128xi32>
    %add3A_894 = arith.addi %iota3A_693, %add3A_893 : vector<2048x128xi32>
    %select_n3A_895 = arith.select %lt3A_890, %add3A_894, %select_n3A_882 : vector<2048x128xi1>, vector<2048x128xi32>
    %reduce_min3A_896 = arith.constant dense<0x7F800000> : vector<2048xf32>
    %reduce_min3A_897 = vector.multi_reduction <minimumf>, %select_n3A_891, %reduce_min3A_896 [1] : vector<2048x128xf32> to vector<2048xf32>
    %broadcast_in_dim3A_898 = vector.shape_cast %reduce_min3A_897 : vector<2048xf32> to vector<2048x1xf32>
    %eq3A_899 = vector.broadcast %broadcast_in_dim3A_898 : vector<2048x1xf32> to vector<2048x128xf32>
    %eq3A_900 = arith.cmpf oeq, %select_n3A_891, %eq3A_899 : vector<2048x128xf32>
    %jit3A_901 = arith.constant 8192 : i32
    %broadcast_in_dim3A_902 = vector.broadcast %jit3A_901 : i32 to vector<2048x128xi32>
    %select_n3A_903 = arith.select %eq3A_900, %select_n3A_895, %broadcast_in_dim3A_902 : vector<2048x128xi1>, vector<2048x128xi32>
    %reduce_min3A_904 = arith.constant dense<2147483647> : vector<2048xi32>
    %reduce_min3A_905 = vector.multi_reduction <minsi>, %select_n3A_903, %reduce_min3A_904 [1] : vector<2048x128xi32> to vector<2048xi32>
    %add3A_906 = arith.constant 6144 : i32
    %add3A_907 = vector.broadcast %add3A_906 : i32 to vector<2048xi32>
    %add3A_908 = arith.addi %reduce_min3A_905, %add3A_907 : vector<2048xi32>
    %lt3A_909 = arith.cmpf olt, %reduce_min3A_897, %select_n3A_681 : vector<2048xf32>
    %select_n3A_910 = arith.select %lt3A_909, %add3A_908, %select_n3A_682 : vector<2048xi1>, vector<2048xi32>
    %select_n3A_911 = arith.select %lt3A_909, %reduce_min3A_897, %select_n3A_683 : vector<2048xi1>, vector<2048xf32>
    %reshape3A = vector.shape_cast %select_n3A_910 : vector<2048xi32> to vector<1x1x2048xi32>
    %swap3A = arith.constant 0 : index
    %swap3A_912 = arith.constant 0 : index
    %swap3A_913 = arith.constant 0 : index
    %swap3A_914 = vector.load %arg5[%swap3A, %swap3A_912, %swap3A_913] : memref<1x1x2048xi32, #tpu.memory_space<vmem>>, vector<1x1x2048xi32>
    tpu.vector_store %arg5[%swap3A, %swap3A_912, %swap3A_913], %reshape3A {strides = array<i32>} : memref<1x1x2048xi32, #tpu.memory_space<vmem>>, vector<1x1x2048xi32>,
    %reshape3A_915 = vector.shape_cast %select_n3A_911 : vector<2048xf32> to vector<1x1x2048xf32>
    %swap3A_916 = arith.constant 0 : index
    %swap3A_917 = arith.constant 0 : index
    %swap3A_918 = arith.constant 0 : index
    %swap3A_919 = vector.load %arg6[%swap3A_916, %swap3A_917, %swap3A_918] : memref<1x1x2048xf32, #tpu.memory_space<vmem>>, vector<1x1x2048xf32>
    tpu.vector_store %arg6[%swap3A_916, %swap3A_917, %swap3A_918], %reshape3A_915 {strides = array<i32>} : memref<1x1x2048xf32, #tpu.memory_space<vmem>>, vector<1x1x2048xf32>,
    return
  }
  func.func @transform_0(%arg0: i32) -> (i32, i32) {
    %c0_i32 = arith.constant 0 : i32
    %c0_i32_0 = arith.constant 0 : i32
    return %arg0, %c0_i32 : i32, i32
  }
  func.func @transform_1(%arg0: i32) -> (i32, i32) {
    %c0_i32 = arith.constant 0 : i32
    %c0_i32_0 = arith.constant 0 : i32
    return %arg0, %c0_i32 : i32, i32
  }
  func.func @transform_2(%arg0: i32) -> (i32, i32) {
    %c0_i32 = arith.constant 0 : i32
    %c0_i32_0 = arith.constant 0 : i32
    %c0_i32_1 = arith.constant 0 : i32
    return %c0_i32, %c0_i32_0 : i32, i32
  }
  func.func @transform_3(%arg0: i32) -> (i32, i32) {
    %c0_i32 = arith.constant 0 : i32
    %c0_i32_0 = arith.constant 0 : i32
    %c0_i32_1 = arith.constant 0 : i32
    return %c0_i32, %c0_i32_0 : i32, i32
  }
  func.func @transform_4(%arg0: i32) -> (i32, i32, i32) {
    %c0_i32 = arith.constant 0 : i32
    %c0_i32_0 = arith.constant 0 : i32
    %c0_i32_1 = arith.constant 0 : i32
    return %arg0, %c0_i32, %c0_i32_0 : i32, i32, i32
  }
  func.func @transform_5(%arg0: i32) -> (i32, i32, i32) {
    %c0_i32 = arith.constant 0 : i32
    %c0_i32_0 = arith.constant 0 : i32
    %c0_i32_1 = arith.constant 0 : i32
    return %arg0, %c0_i32, %c0_i32_0 : i32, i32, i32
  }
}

</mosaic_0001>

<sc_bundles>
// kernel: kernel.4.cloned.1.call-start
scs
__scs_entry_jumppad:
0x0: {  	(pc) =	sbr.rel $0x88, $3  }
0x1: {  	(tag) =	ssettag $0x0;
	lr =	simm.s32 $0x1  }
0x2: {  	[smem:$0x3F9F] =	sst lr;
	_ =	strace $0xD0000000  }
0x3: {  	_ = 	snop  }
0x4: {  	_ = 	snop  }
0x5: {  	_ = 	snop  }
0x6: {  	_ = 	snop  }
0x7: {  	_ = 	snop  }
__scs_overlays_trampoline_lowered:
0x8: {  	[smem:$0x3FAE] =	sst s0  }
0x9: {  	[smem:$0x3FAF] =	sst s1  }
0xa: {  	[smem:$0x3FB0] =	sst s2  }
0xb: {  	[smem:$0x3FB1] =	sst s3  }
0xc: {  	[smem:$0x3FB2] =	sst s4  }
0xd: {  	[smem:$0x3FB3] =	sst s5  }
0xe: {  	[smem:$0x3FB4] =	sst s6  }
0xf: {  	[smem:$0x3FB5] =	sst s7  }
0x10: {  	[smem:$0x3FB6] =	sst s8  }
0x11: {  	[smem:$0x3FB7] =	sst s9;
	s0 =	simm.s32 @!p0 $0x0  }
0x12: {  	s1 =	sld [smem:$0x3F9D];
	s0 =	simm.s32 @p0 $0x1  }
0x13: {  	[smem:$0x3FB8] =	sst s0;
	s0 =	simm.s32 @!p1 $0x0  }
0x14: {  	s2 =	sld [smem:$0x3F9C];
	s0 =	simm.s32 @p1 $0x1  }
0x15: {  	[smem:$0x3FB9] =	sst s0;
	s0 =	simm.s32 @!p2 $0x0  }
0x16: {  	s3 =	sld [smem:$0x3FDB];
	s0 =	simm.s32 @p2 $0x1  }
0x17: {  	s4 =	simm.s32 $0x1BF5;
	[smem:$0x3FBB] =	sst s0  }
0x18: {  	s0 =	sld [smem:$0x3F9E];
	_ =	swait.ge [sflag:s4], $0x0  }
0x19: {  	s7 =	sld [smem:$0x3F9F]  }
0x1a: {  	s8 =	sadd.s32 $0xFFFFE003, lr  }
0x1b: {  	s9 =	sadd.s32 $0xFFFFFEF7, lr;
	s5 =	simm.s32 $0xFFFFFFFF;
	p2 =	slt.u32 s8, $0xFFFFF086  }
0x1c: {  	p1 =	slt.u32 s9, $0xF7A;
	s5 =	simm.s32 @!p2 $0x0  }
0x1d: {  	s5 =	simm.s32 @p1 $0x1;
	p0 =	seq.s32 s7, s2  }
0x1e: {  	s7 =	smul.u32 @!p0 $0xF7A, s2;
	p2 =	seq.s32 @!p0 s5, $0x0  }
0x1f: {  	s9 =	smul.u32 $0xF7A, s1;
	s8 =	simm.s32 @!p0 $0x1BF5;
	p2 =	por !p2, p0  }
0x20: {  	[sflag:s8] =	ssyncset.s32 @!p0 $0xFFFFF086;
	s6 =	sadd.s32 @!p0 s3, s7;
	s7 =	simm.s32 @!p0 $0x108  }
0x21: {  	s3 =	sadd.s32 s3, s9;
	s6 =	sadd.s32 @!p0 $0x88, s6;
	s7 =	simm.s32 @p2 $0x1082  }
0x22: {  	[simem:s7], [sflag:s8] =	dma.local @!p0 [hbm:s6], $0xF7A  }
0x23: {  	s9 =	sor.u32 $0xD0000000, s2;
	s6 =	simm.s32 $0x108;
	_ =	swait.ge @!p0 [sflag:s8], $0x0  }
0x24: {  	s3 =	sadd.s32 $0x88, s3;
	s6 =	simm.s32 @!p1 $0x1082;
	[sflag:s4] =	ssyncset.s32 $0xFFFFF086  }
0x25: {  	[simem:s6], [sflag:s4] =	dma.local [hbm:s3], $0xF7A  }
0x26: {  	[smem:$0x3F9F] =	sst s1;
	(tag) =	ssettag s2;
	_ =	strace s9  }
0x27: {  	s1 =	sld [smem:$0x3FAF]  }
0x28: {  	s2 =	sld [smem:$0x3FB0]  }
0x29: {  	s4 =	sld [smem:$0x3FB2]  }
0x2a: {  	p0 =	seq.s32 s5, $0x0;
	s5 =	sld [smem:$0x3FB3]  }
0x2b: {  	s6 =	sld [smem:$0x3FB4]  }
0x2c: {  	s7 =	sld [smem:$0x3FB5]  }
0x2d: {  	s3 =	simm.s32 $0x108;
	s8 =	sld [smem:$0x3FB6]  }
0x2e: {  	s3 =	simm.s32 @!p0 $0x1082;
	s9 =	sld [smem:$0x3FB7]  }
0x2f: {  	lr =	sadd.s32 s0, s3;
	s0 =	sld [smem:$0x3FAE]  }
0x30: {  	s3 =	sld [smem:$0x3FB1]  }
0x31: {  	[smem:$0x3FBA] =	sst s10  }
0x32: {  	s10 =	sld [smem:$0x3FB8];
	_ =	sdelay $0x3  }
0x33: {  	p0 =	seq.s32 s10, $0x1;
	s10 =	sld [smem:$0x3FBA];
	_ =	sdelay $0x3  }
0x34: {  	[smem:$0x3FBA] =	sst s10  }
0x35: {  	s10 =	sld [smem:$0x3FB9];
	_ =	sdelay $0x3  }
0x36: {  	p1 =	seq.s32 s10, $0x1;
	s10 =	sld [smem:$0x3FBA];
	_ =	sdelay $0x3  }
0x37: {  	[smem:$0x3FBA] =	sst s10  }
0x38: {  	s10 =	sld [smem:$0x3FBB]  }
0x39: {  	_ = 	snop;
	(pc) =	sbr.ind lr, $3  }
0x3a: {  	_ = 	snop  }
0x3b: {  	_ = 	snop  }
0x3c: {  	p2 =	seq.s32 s10, $0x1;
	s10 =	sld [smem:$0x3FBA]  }
0x3d: {  	_ =	shalt  }
0x3e: {  	_ =	shalt  }
0x3f: {  	_ =	shalt  }
0x40: {  	_ =	shalt  }
0x41: {  	_ =	shalt  }
0x42: {  	_ =	shalt  }
0x43: {  	_ =	shalt  }
0x44: {  	_ =	shalt  }
0x45: {  	_ =	shalt  }
0x46: {  	_ =	shalt  }
0x47: {  	_ =	shalt  }
0x48: {  	_ =	shalt  }
0x49: {  	_ =	shalt  }
0x4a: {  	_ =	shalt  }
0x4b: {  	_ =	shalt  }
0x4c: {  	_ =	shalt  }
0x4d: {  	_ =	shalt  }
0x4e: {  	_ =	shalt  }
0x4f: {  	_ =	shalt  }
0x50: {  	_ =	shalt  }
0x51: {  	_ =	shalt  }
0x52: {  	_ =	shalt  }
0x53: {  	_ =	shalt  }
0x54: {  	_ =	shalt  }
0x55: {  	_ =	shalt  }
0x56: {  	_ =	shalt  }
0x57: {  	_ =	shalt  }
0x58: {  	_ =	shalt  }
0x59: {  	_ =	shalt  }
0x5a: {  	_ =	shalt  }
0x5b: {  	_ =	shalt  }
0x5c: {  	_ =	shalt  }
0x5d: {  	_ =	shalt  }
0x5e: {  	_ =	shalt  }
0x5f: {  	_ =	shalt  }
0x60: {  	_ =	shalt  }
0x61: {  	_ =	shalt  }
0x62: {  	_ =	shalt  }
0x63: {  	_ =	shalt  }
0x64: {  	_ =	shalt  }
0x65: {  	_ =	shalt  }
0x66: {  	_ =	shalt  }
0x67: {  	_ =	shalt  }
0x68: {  	_ =	shalt  }
0x69: {  	_ =	shalt  }
0x6a: {  	_ =	shalt  }
0x6b: {  	_ =	shalt  }
0x6c: {  	_ =	shalt  }
0x6d: {  	_ =	shalt  }
0x6e: {  	_ =	shalt  }
0x6f: {  	_ =	shalt  }
0x70: {  	_ =	shalt  }
0x71: {  	_ =	shalt  }
0x72: {  	_ =	shalt  }
0x73: {  	_ =	shalt  }
0x74: {  	_ =	shalt  }
0x75: {  	_ =	shalt  }
0x76: {  	_ =	shalt  }
0x77: {  	_ =	shalt  }
0x78: {  	_ =	shalt  }
0x79: {  	_ =	shalt  }
0x7a: {  	_ =	shalt  }
0x7b: {  	_ =	shalt  }
0x7c: {  	_ =	shalt  }
0x7d: {  	_ =	shalt  }
0x7e: {  	_ =	shalt  }
0x7f: {  	_ =	shalt  }
0x80: {  	_ =	shalt  }
0x81: {  	_ =	shalt  }
0x82: {  	_ =	shalt  }
0x83: {  	_ =	shalt  }
0x84: {  	_ =	shalt  }
0x85: {  	_ =	shalt  }
0x86: {  	_ =	shalt  }
0x87: {  	_ =	shalt  }
.Lfunc_end0:
.L_simem_size_0:
called_computation_lowered:
.L_overlay_start_0:
0x88: {  	s2 =	sld [smem:$0x3FD9]  }
0x89: {  	s3 =	sld [smem:$0x3FFE];
	_ =	sdelay $0x1  }
0x8a: {  	s1 =	srdreg.scid  }
0x8b: {  	s0 =	sand.u32 $0x1, s1  }
0x8c: {  	s14 =	sshll.u32 s0, $0xA;
	s2 =	sadd.s32 s3, s2  }
0x8d: {  	s2 =	sadd.s32 s2, s14  }
0x8e: {  	[smem:$0x3FC6] =	sst s2  }
0x8f: {  	_ = 	snop  }
0x90: {  	s2 =	sld [smem:$0x3FD0];
	_ =	sdelay $0x2  }
0x91: {  	s15 =	simm.s32 $0xA;
	s4 =	simm.s32 $0x10  }
0x92: {  	[smem:s4], [sflag:s15] =	dma.local [hbm:s2], $0x1  }
0x93: {  	_ =	swait.eq [sflag:s15], $0x1  }
0x94: {  	[sflag:s15] =	ssyncset.done $0x0  }
0x95: {  	[sflag:s15] =	ssyncadd.s32 $0xFFFFFFFF  }
0x96: {  	s16 =	sld [smem:$0x10];
	(tm) =	ssettm $0x1  }
0x97: {  	s17 =	sld [smem:$0x3FFB];
	_ =	sdelay $0x3  }
0x98: {  	_ =	strace s17  }
0x99: {  	s3 =	sld [smem:$0x3FFC];
	_ =	sdelay $0x3  }
0x9a: {  	_ =	strace s3  }
0x9b: {  	s3 =	sld [smem:$0x3FFD];
	_ =	sdelay $0x3  }
0x9c: {  	_ =	strace s3  }
0x9d: {  	_ =	strace $0x8FFFFFFF  }
0x9e: {  	s18 =	sld [smem:$0x3FDB];
	_ =	sdelay $0x1  }
0x9f: {  	s19 =	simm.s32 $_scs_section_size  }
0xa0: {  	s5 =	simm.s32 $_size__tile_overlayer_lowered;
	s6 =	simm.s32 $_tile_overlayer_lowered  }
0xa1: {  	s22 =	simm.s32 $0x1BFF;
	s21 =	sshll.u32 s6, $0x1;
	s3 =	sadd.s32 s19, s18  }
0xa2: {  	s7 =	simm.s32 $0x0;
	s20 =	sshll.u32 s5, $0x1;
	s5 =	sadd.s32 s21, s3  }
0xa3: {  	[timem:s7], [sflag:s22] =	dma.local [hbm:s5], s20  }
0xa4: {  	_ =	swait.ge [sflag:s22], s20  }
0xa5: {  	s4 =	ssub.s32 $0x0, s20;
	[sflag:s22] =	ssyncset.done $0x0  }
0xa6: {  	[sflag:s22] =	ssyncadd.s32 s4;
	_ =	sdelay $0x1  }
0xa7: {  	s23 =	simm.s32 $0x1B8B  }
0xa8: {  	_ =	swait.ge [sflag:s23], $0x1  }
0xa9: {  	[sflag:s23] =	ssyncset.done $0x0  }
0xaa: {  	s25 =	simm.s32 $0x1B8E;
	s24 =	sld [smem:$0x3FFE];
	[sflag:s23] =	ssyncadd.s32 $0xFFFFFFFF  }
0xab: {  	s26 =	simm.s32 $execute0_lowered;
	[smem:$0x3FD2] =	sst s25  }
0xac: {  	s5 =	sshll.u32 s26, $0x1;
	_ =	strace $0x80000046;
	[dreg:$0x1] =	wrdreg $0xFFFFFFFF  }
0xad: {  	s28 =	simm.s32 $_size_execute0_lowered;
	s3 =	sadd.s32 s3, s5;
	[dreg:$0x0] =	wrdreg $0x0  }
0xae: {  	s5 =	sshll.u32 s28, $0x1;
	[dreg:$0x2] =	wrdreg s3  }
0xaf: {  	[dreg:$0x3] =	wrdreg s5  }
0xb0: {  	[dreg:$0x4] =	wrdreg $0xC0  }
0xb1: {  	_ =	task [dreg:s7], $0x5FFFF  }
0xb2: {  	[dreg:$0x1] =	wrdreg $0xFFFFFFFF  }
0xb3: {  	[dreg:$0x0] =	wrdreg $0x60  }
0xb4: {  	[dreg:$0x2] =	wrdreg s24  }
0xb5: {  	[dreg:$0x3] =	wrdreg s16  }
0xb6: {  	[dreg:$0x4] =	wrdreg $0x9  }
0xb7: {  	_ =	task.clear_ibuf [dreg:s7], $0x5FFFF;
	_ =	strace $0x90000046  }
0xb8: {  	s29 =	simm.s32 $0x9;
	_ =	strace $0x80000048  }
0xb9: {  	_ =	swait.ge [sflag:s29], $0x1  }
0xba: {  	[sflag:s29] =	ssyncadd.s32 $0xFFFFFFFF  }
0xbb: {  	_ =	strace $0x90000048  }
0xbc: {  	_ =	sfence  }
0xbd: {  	s30 =	sld [smem:$0x0];
	_ =	sdelay $0x2  }
0xbe: {  	s31 =	sshll.u32 s1, $0xD;
	s1 =	sshrl.u32 s1, $0x2  }
0xbf: {  	s3 =	sand.u32 $0x4000, s31;
	s1 =	sadd.s32 s1, s30  }
0xc0: {  	s0 =	sor.u32 s3, s0;
	s1 =	sshll.u32 s1, $0x11  }
0xc1: {  	s0 =	sor.u32 s1, s0  }
0xc2: {  	s0 =	sadd.s32 $0x8F2B, s0  }
0xc3: {  	[sflag:s0] =	ssyncadd.remote.s32 $0x1  }
0xc4: {  	_ =	sfence.sel $0xFFFF  }
0xc5: {  	[dreg:$0x0] =	wrdreg $0xFFFFFFFF;
	(pc) =	sbr.abs _section_cstart, $3  }
0xc6: {  	[dreg:$0x1] =	wrdreg $0xFFFFFFFF  }
0xc7: {  	_ =	task.clear_ibuf [dreg:s7], $0x2FFFF;
	_ =	strace $0x9FFFFFFF  }
0xc8: {  	(tm) =	ssettm $0x7FFFFFFF  }
0xc9: {  	_ =	shalt  }
tec
execute0_lowered:
.L_overlay_start_1:
0x0: {  	(tag) =	ssettag $0x1  }
0x1: {  	s5 =	rddreg [dreg:$0x0]  }
0x2: {  	s4 =	rddreg [dreg:$0x1]  }
0x3: {  	s0 =	rddreg [dreg:$0x2];
	s3 =	srdreg.scid  }
0x4: {  	s2 =	simm.s32 $0x0;
	s1 =	stileid.u32;
	s10 =	simm.s32 $0x80  }
0x5: {  	s11 =	simm.s32 $0x100;
	s12 =	simm.s32 $0x4100;
	s13 =	simm.s32 $0x8100  }
0x6: {  	s14 =	simm.s32 $0x1;
	s15 =	simm.s32 $0x10100;
	s16 =	simm.s32 $0x0  }
0x7: {  	s6 =	sand.u32 $0x1, s3;
	[smem:$0x7FF] =	sst s2;
	s7 =	sshll.u32 s1, $0x9  }
0x8: {  	s3 =	sadd.s32 $0x20000, s5;
	s8 =	sshll.u32 s6, $0x8;
	s6 =	ssub.s32 $0x2, s6  }
0x9: {  	_ =	strace $0x80000047;
	s7 =	sor.u32 s8, s7;
	s9 =	sshrl.u32 s6, $0x1  }
0xa: {  	s8 =	sshrl.u32 s7, $0x3;
	s7 =	sshll.u32 s7, $0x4;
	s31 =	ssub.s32 s6, s9  }
0xb: {  	s9 =	simm.s32 $0x2;
	s4 =	sadd.s32 s4, s8;
	s5 =	sadd.s32 s5, s7  }
0xc: {  	s8 =	smax.u32 s31, $0x1;
	s6 =	sadd.s32 $0x10, s4;
	s7 =	sadd.s32 $0x40000, s5  }
.LBB2_1:
0xd: {  	[tilespmem:s2], [sflag:$0x2] =	stream.linear.gather [hbm4b:s4+s2], $0x80, $0x38;
	[tilespmem:$0x18100] =	vst v63  }
0xe: {  	_ =	swait.ge [sflag:s9], $0x80  }
0xf: {  	[sflag:s9] =	ssyncset.done $0x0  }
0x10: {  	[sflag:s9] =	ssyncadd.s32 $0xFFFFFF80  }
0x11: {  	[tilespmem:s10], [sflag:$0x2] =	stream.linear.gather [hbm4b:s6+s2], $0x80, $0x38;
	[tilespmem:$0x18100] =	vst v63  }
0x12: {  	_ =	swait.ge [sflag:s9], $0x80  }
0x13: {  	[sflag:s9] =	ssyncset.done $0x0  }
0x14: {  	[sflag:s9] =	ssyncadd.s32 $0xFFFFFF80  }
0x15: {  	[tilespmem:s11], [sflag:$0x1] =	stream.indirect.gather [hbm4b:s3+s10], $0x80, s2, s10, $0xb8;
	[tilespmem:$0x18100] =	vst v63  }
0x16: {  	_ = 	snop  }
0x17: {  	[tilespmem:s12], [sflag:$0x1] =	stream.indirect.gather [hbm4b:s3+s10], $0x80, s10, s10, $0xb8;
	[tilespmem:$0x18100] =	vst v63  }
0x18: {  	_ = 	snop  }
0x19: {  	[tilespmem:s13], [sflag:$0x2] =	stream.linear.gather [hbm4b:s5+s2], $0x8000, $0x38;
	[tilespmem:$0x18100] =	vst v63  }
0x1a: {  	_ =	swait.ge [sflag:s9], $0x8000  }
0x1b: {  	[sflag:s9] =	ssyncset.done $0x0  }
0x1c: {  	[sflag:s9] =	ssyncadd.s32 $0xFFFF8000  }
0x1d: {  	_ =	swait.ge [sflag:s14], $0x4000  }
0x1e: {  	[sflag:s14] =	ssyncset.done $0x0  }
0x1f: {  	[sflag:s14] =	ssyncadd.s32 $0xFFFFC000  }
0x20: {  	_ =	swait.ge [sflag:s14], $0x4000  }
0x21: {  	[sflag:s14] =	ssyncset.done $0x0  }
0x22: {  	s18 =	simm.s32 $0x0;
	[sflag:s14] =	ssyncadd.s32 $0xFFFFC000  }
0x23: {  	v3 =	vld [tilespmem:s18+$0x8110]  }
0x24: {  	v1 =	vld [tilespmem:s18+$0x110]  }
0x25: {  	v4 =	vld [tilespmem:s18+$0x8100]  }
0x26: {  	v5 =	vld [tilespmem:s18+$0x100];
	_ =	sdelay $0x1  }
0x27: {  	s17 =	simm.s32 $0x80  }
0x28: {  	v0 =	vld [tilespmem:s17+$0x8110];
	v6 =	vsub.f32 v1, v3  }
0x29: {  	v2 =	vld [tilespmem:s17+$0x110]  }
0x2a: {  	v1 =	vld [tilespmem:s17+$0x8100];
	v5 =	vsub.f32 v5, v4;
	v6 =	vadd.f32 v6, v3  }
0x2b: {  	v3 =	vld [tilespmem:s17+$0x100]  }
0x2c: {  	s19 =	simm.s32 $0x400;
	v4 =	vadd.f32 v5, v4;
	[tilespmem:s18+$0x10110] =	vst v6  }
.LBB2_2:
0x2d: {  	s20 =	sshra.s32 s19, $0x2;
	v5 =	vmov v0;
	p0 =	sne.s32 s19, $0x1FE00  }
.Ltmp0:
0x2e: {  	s19 =	sadd.s32 $0x200, s19;
	v0 =	vld [tilespmem:s20+$0x8110];
	v6 =	vsub.f32 v2, v5;
	[tilespmem:s18+$0x10100] =	vst v4;
	(pc) =	sbr.rel @p0 .LBB2_2-.Ltmp0, $4  }
0x2f: {  	s18 =	smov.u32 s17;
	s17 =	smov.u32 s20;
	v2 =	vld [tilespmem:s20+$0x110];
	v4 =	vmov v1  }
0x30: {  	v1 =	vld [tilespmem:s17+$0x8100];
	v7 =	vsub.f32 v3, v4;
	v5 =	vadd.f32 v6, v5  }
0x31: {  	v3 =	vld [tilespmem:s17+$0x100]  }
0x32: {  	v4 =	vadd.f32 v7, v4;
	[tilespmem:s18+$0x10110] =	vst v5  }
0x33: {  	_ =	sdelay $0x1  }
0x34: {  	v2 =	vsub.f32 v2, v0  }
0x35: {  	v3 =	vsub.f32 v3, v1  }
0x36: {  	v0 =	vadd.f32 v2, v0  }
0x37: {  	s16 =	sadd.s32 $0x1, s16;
	[tilespmem:s18+$0x10100] =	vst v4;
	v1 =	vadd.f32 v3, v1  }
0x38: {  	p0 =	sne.s32 s16, s8;
	[tilespmem:s17+$0x10110] =	vst v0  }
.Ltmp1:
0x39: {  	[tilespmem:s17+$0x10100] =	vst v1;
	(pc) =	sbr.rel @p0 .LBB2_1-.Ltmp1, $4  }
0x3a: {  	[hbm4b:s7+s2] =	stream.linear.scatter [tilespmem:s15], [sflag:$0x2], $0x8000, $0x38;
	[tilespmem:$0x18100] =	vst v63  }
0x3b: {  	_ =	swait.ge [sflag:s9], $0x8000  }
0x3c: {  	[sflag:s9] =	ssyncset.done $0x0  }
0x3d: {  	[sflag:s9] =	ssyncadd.s32 $0xFFFF8000  }
0x3e: {  	_ =	sfence.sel $0x180000  }
0x3f: {  	[bflag:$0x0] =	sbarrier.arrive $0xFFFF  }
0x40: {  	p0 =	sne.s32 s1, $0x0;
	_ =	strace $0x90000047  }
0x41: {  	s0 =	sadd.s32 @!p0 $0x100000, s0;
	[bflag:$0x2] =	sbarrier.arrive $0xFFFF  }
0x42: {  	[sflag:s0] =	ssyncadd.tile.s32 @!p0 $0x1;
	_ =	shalt  }
.Lfunc_end2:
_tile_overlayer_lowered:
.L_overlay_start_2:
0x43: {  	(tag) =	ssettag $0x2  }
0x44: {  	s0 =	rddreg [dreg:$0x0];
	s2 =	stileid.u32  }
0x45: {  	s1 =	rddreg [dreg:$0x1];
	p0 =	sne.s32 s2, $0x0  }
0x46: {  	s3 =	rddreg [dreg:$0x2];
	[bflag:$0x3] =	sbarrier.arrive $0xFFFF;
	s2 =	simm.s32 @!p0 $0x1C02  }
0x47: {  	[timem:s3], [sflag:s2] =	dma.local @!p0 [hbm:s0], s1  }
0x48: {  	s0 =	simm.s32 @!p0 $0x2  }
0x49: {  	_ =	swait.ge @!p0 [sflag:s0], s1  }
0x4a: {  	s1 =	ssub.s32 @!p0 $0x0, s1;
	[sflag:s0] =	ssyncset.done @!p0 $0x0  }
0x4b: {  	[sflag:s0] =	ssyncadd.s32 @!p0 s1  }
0x4c: {  	[bflag:$0x3] =	sbarrier.arrive $0xFFFF  }
0x4d: {  	_ =	shalt  }

</sc_bundles>
